<compile_context>
chip_gen: v7x
topology: tpu7x:2x2x1
jax: 0.10.2.dev20260603
libtpu: 0.0.44.dev20260713+nightly
codegen_flags: <defaults>
</compile_context>

<pallas_src>
import functools

import jax
import jax.numpy as jnp
from jax import lax
from jax.experimental import pallas as pl
from jax.experimental.pallas import tpu as pltpu
from jax.experimental.pallas import tpu_sc as plsc

_ROWS = 4096
_SEQ = 200
_DIM = 32
_N = _ROWS * _SEQ

_info = plsc.get_sparse_core_info()
_NC = _info.num_cores
_NS = _info.num_subcores
_NW = _NC * _NS
_PER_W = _N // _NW
_CHUNK = 640
_NCHUNK = _PER_W // _CHUNK
_V = 201


@functools.partial(
    pl.kernel,
    out_type=(
        jax.ShapeDtypeStruct((_N, _DIM), jnp.float32),
        jax.ShapeDtypeStruct((_N, _DIM), jnp.float32),
    ),
    mesh=plsc.VectorSubcoreMesh(core_axis_name="c", subcore_axis_name="s"),
    scratch_types=[
        pltpu.VMEM((_PER_W,), jnp.int32),
        pltpu.VMEM((_CHUNK, _DIM), jnp.float32),
        pltpu.VMEM((_CHUNK, _DIM), jnp.float32),
        pltpu.VMEM((_CHUNK, _DIM), jnp.float32),
        pltpu.VMEM((_CHUNK, _DIM), jnp.float32),
        pltpu.VMEM((_V, _DIM), jnp.float32),
        pltpu.VMEM_SHARED((_V, _DIM), jnp.float32),
        pltpu.VMEM_SHARED((_V, _DIM), jnp.float32),
        pltpu.SemaphoreType.DMA,
        pltpu.SemaphoreType.DMA,
    ],
    compiler_params=pltpu.CompilerParams(use_tc_tiling_on_sc=False),
)
def _gather_kernel(idx_hbm, pek_hbm, pev_hbm, outk_hbm, outv_hbm,
                   idx_v, rk0, rv0, rk1, rv1, tab_tmp, tabk_sh, tabv_sh,
                   sem0, sem1):
    cid = lax.axis_index("c")
    sid = lax.axis_index("s")
    wid = sid * _NC + cid
    base = wid * _PER_W

    @pl.when(sid == 0)
    def _():
        pltpu.sync_copy(pek_hbm, tab_tmp)
        pltpu.sync_copy(tab_tmp, tabk_sh)
        pltpu.sync_copy(pev_hbm, tab_tmp)
        pltpu.sync_copy(tab_tmp, tabv_sh)

    pltpu.sync_copy(idx_hbm.at[pl.ds(base, _PER_W)], idx_v)
    plsc.subcore_barrier()

    def start_gathers(c, rk, rv, sem):
        isl = idx_v.at[pl.ds(c * _CHUNK, _CHUNK)]
        pltpu.async_copy(tabk_sh.at[isl], rk, sem)
        pltpu.async_copy(tabv_sh.at[isl], rv, sem)

    def drain_gathers(rk, rv, sem):
        pltpu.make_async_copy(outk_hbm.at[pl.ds(0, _CHUNK)], rk, sem).wait()
        pltpu.make_async_copy(outv_hbm.at[pl.ds(0, _CHUNK)], rv, sem).wait()

    def write_rows(c, rk, rv):
        start = base + c * _CHUNK
        pltpu.sync_copy(rk, outk_hbm.at[pl.ds(start, _CHUNK)])
        pltpu.sync_copy(rv, outv_hbm.at[pl.ds(start, _CHUNK)])

    start_gathers(0, rk0, rv0, sem0)

    def body(c2, carry):
        a = 2 * c2
        drain_gathers(rk0, rv0, sem0)
        start_gathers(a + 1, rk1, rv1, sem1)
        write_rows(a, rk0, rv0)
        drain_gathers(rk1, rv1, sem1)

        @pl.when(a + 2 < _NCHUNK)
        def _():
            start_gathers(a + 2, rk0, rv0, sem0)

        write_rows(a + 1, rk1, rv1)
        return carry

    lax.fori_loop(0, _NCHUNK // 2, body, 0)


def kernel(position_mask, pe_k, pe_v):
    idx = position_mask.reshape(_N).astype(jnp.int32)
    out_k, out_v = _gather_kernel(idx, pe_k, pe_v)
    return (out_k.reshape(_ROWS, _SEQ, _DIM), out_v.reshape(_ROWS, _SEQ, _DIM))

# --- scband reference (transcript-rebuilt; emitter-appended) ---
"""Pipeline reference for scband-relative-position-encoding-24979529793750 (READ-ONLY COPY).

The authoritative reference and input builder live on the scoring server;
editing this copy changes nothing except your own understanding.
"""

import jax, jax.numpy as jnp
import numpy as np

MAX_LEN = 200
INPUT_DIM = 32

def setup_inputs(seed: int = 0) -> dict:
    key = jax.random.key(seed)
    k1, k2, k3 = jax.random.split(key, 3)
    position_mask = jax.random.randint(k1, (4096, 200), 0, 201, dtype=jnp.int64)
    pe_k = jax.random.normal(k2, (MAX_LEN + 1, INPUT_DIM), dtype=jnp.float32)
    pe_v = jax.random.normal(k3, (MAX_LEN + 1, INPUT_DIM), dtype=jnp.float32)
    # padding_idx=0: row 0 is zeros at init
    pe_k = pe_k.at[0].set(0.0)
    pe_v = pe_v.at[0].set(0.0)
    return {"position_mask": position_mask, "pe_k": pe_k, "pe_v": pe_v}

def reference(position_mask, pe_k, pe_v):
    idx = jnp.clip(position_mask, 0, MAX_LEN).astype(jnp.int32)
    pemb_k = jnp.take(pe_k, idx, axis=0)
    pemb_v = jnp.take(pe_v, idx, axis=0)
    return (pemb_k, pemb_v)

if __name__ == "__main__":
    import jax
    _d = setup_inputs()
    print(jax.jit(kernel)(*tuple(_d.values())))

</pallas_src>

<mosaic_0001>
#map = affine_map<(d0, d1) -> (0)>
#map1 = affine_map<(d0, d1) -> (0, 0)>
module attributes {stable_mosaic.version = 14 : i64} {
  func.func @_gather_kernel(%arg0: i32, %arg1: i32, %arg2: memref<819200xi32, #tpu.memory_space<hbm>>, %arg3: memref<201x32xf32, #tpu.memory_space<hbm>>, %arg4: memref<201x32xf32, #tpu.memory_space<hbm>>, %arg5: memref<819200x32xf32, #tpu.memory_space<hbm>>, %arg6: memref<819200x32xf32, #tpu.memory_space<hbm>>, %arg7: memref<25600xi32, #tpu.memory_space<vmem>>, %arg8: memref<640x32xf32, #tpu.memory_space<vmem>>, %arg9: memref<640x32xf32, #tpu.memory_space<vmem>>, %arg10: memref<640x32xf32, #tpu.memory_space<vmem>>, %arg11: memref<640x32xf32, #tpu.memory_space<vmem>>, %arg12: memref<201x32xf32, #tpu.memory_space<vmem>>, %arg13: memref<201x32xf32, #tpu.memory_space<vmem_shared>>, %arg14: memref<201x32xf32, #tpu.memory_space<vmem_shared>>, %arg15: memref<!tpu.dma_semaphore, #tpu.memory_space<semaphore_mem>>, %arg16: memref<!tpu.dma_semaphore, #tpu.memory_space<semaphore_mem>>) attributes {dimension_semantics = [#tpu.dimension_semantics<core_parallel>, #tpu.dimension_semantics<subcore_parallel>], iteration_bounds = array<i64: 2, 16>, scalar_prefetch = 0 : i64, scratch_operands = 10 : i64, tpu.core_type = #tpu.core_type<sc_vector_subcore>, window_params = [{transform_indices = #map}, {transform_indices = #map1}, {transform_indices = #map1}, {transform_indices = #map1}, {transform_indices = #map1}]} {
    %mul3A = arith.constant 2 : i32
    %mul3A_0 = arith.muli %arg1, %mul3A : i32
    %add3A = arith.addi %mul3A_0, %arg0 : i32
    %mul3A_1 = arith.constant 25600 : i32
    %mul3A_2 = arith.muli %add3A, %mul3A_1 : i32
    %eq3A = arith.constant 0 : i32
    %eq3A_3 = arith.cmpi eq, %arg1, %eq3A : i32
    %convert_element_type3A = arith.extui %eq3A_3 : i1 to i32
    %cond3A = arith.constant 0 : i32
    %cond3A_4 = arith.cmpi ne, %convert_element_type3A, %cond3A : i32
    scf.if %cond3A_4 {
      "tpu.region"() ({
        %run_scoped3A = tpu.sem_alloc : memref<!tpu.dma_semaphore, #tpu.memory_space<semaphore_mem>>
        tpu.enqueue_dma source(%arg3 : memref<201x32xf32, #tpu.memory_space<hbm>>) target(%arg12 : memref<201x32xf32, #tpu.memory_space<vmem>>) target_semaphore(%run_scoped3A : memref<!tpu.dma_semaphore, #tpu.memory_space<semaphore_mem>>)
        tpu.wait_dma2 semaphore(%run_scoped3A : memref<!tpu.dma_semaphore, #tpu.memory_space<semaphore_mem>>) src(%arg3 : memref<201x32xf32, #tpu.memory_space<hbm>>) dst(%arg12 : memref<201x32xf32, #tpu.memory_space<vmem>>)
        tpu.yield
      }) : () -> ()
      "tpu.region"() ({
        %run_scoped3A = tpu.sem_alloc : memref<!tpu.dma_semaphore, #tpu.memory_space<semaphore_mem>>
        tpu.enqueue_dma source(%arg12 : memref<201x32xf32, #tpu.memory_space<vmem>>) target(%arg13 : memref<201x32xf32, #tpu.memory_space<vmem_shared>>) target_semaphore(%run_scoped3A : memref<!tpu.dma_semaphore, #tpu.memory_space<semaphore_mem>>)
        tpu.wait_dma2 semaphore(%run_scoped3A : memref<!tpu.dma_semaphore, #tpu.memory_space<semaphore_mem>>) src(%arg12 : memref<201x32xf32, #tpu.memory_space<vmem>>) dst(%arg13 : memref<201x32xf32, #tpu.memory_space<vmem_shared>>)
        tpu.yield
      }) : () -> ()
      "tpu.region"() ({
        %run_scoped3A = tpu.sem_alloc : memref<!tpu.dma_semaphore, #tpu.memory_space<semaphore_mem>>
        tpu.enqueue_dma source(%arg4 : memref<201x32xf32, #tpu.memory_space<hbm>>) target(%arg12 : memref<201x32xf32, #tpu.memory_space<vmem>>) target_semaphore(%run_scoped3A : memref<!tpu.dma_semaphore, #tpu.memory_space<semaphore_mem>>)
        tpu.wait_dma2 semaphore(%run_scoped3A : memref<!tpu.dma_semaphore, #tpu.memory_space<semaphore_mem>>) src(%arg4 : memref<201x32xf32, #tpu.memory_space<hbm>>) dst(%arg12 : memref<201x32xf32, #tpu.memory_space<vmem>>)
        tpu.yield
      }) : () -> ()
      "tpu.region"() ({
        %run_scoped3A = tpu.sem_alloc : memref<!tpu.dma_semaphore, #tpu.memory_space<semaphore_mem>>
        tpu.enqueue_dma source(%arg12 : memref<201x32xf32, #tpu.memory_space<vmem>>) target(%arg14 : memref<201x32xf32, #tpu.memory_space<vmem_shared>>) target_semaphore(%run_scoped3A : memref<!tpu.dma_semaphore, #tpu.memory_space<semaphore_mem>>)
        tpu.wait_dma2 semaphore(%run_scoped3A : memref<!tpu.dma_semaphore, #tpu.memory_space<semaphore_mem>>) src(%arg12 : memref<201x32xf32, #tpu.memory_space<vmem>>) dst(%arg14 : memref<201x32xf32, #tpu.memory_space<vmem_shared>>)
        tpu.yield
      }) : () -> ()
    } else {
    }
    "tpu.region"() ({
      %run_scoped3A = tpu.sem_alloc : memref<!tpu.dma_semaphore, #tpu.memory_space<semaphore_mem>>
      %dma_start3A_19 = tpu.memref_slice %arg2[%mul3A_2] : memref<819200xi32, #tpu.memory_space<hbm>> -> memref<25600xi32, #tpu.memory_space<hbm>>
      %dma_start3A_20 = tpu.memref_slice %arg2[%mul3A_2] : memref<819200xi32, #tpu.memory_space<hbm>> -> memref<25600xi32, #tpu.memory_space<hbm>>
      tpu.enqueue_dma source(%dma_start3A_20 : memref<25600xi32, #tpu.memory_space<hbm>>) target(%arg7 : memref<25600xi32, #tpu.memory_space<vmem>>) target_semaphore(%run_scoped3A : memref<!tpu.dma_semaphore, #tpu.memory_space<semaphore_mem>>)
      %dma_wait3A = tpu.memref_slice %arg2[%mul3A_2] : memref<819200xi32, #tpu.memory_space<hbm>> -> memref<25600xi32, #tpu.memory_space<hbm>>
      %dma_wait3A_21 = tpu.memref_slice %arg2[%mul3A_2] : memref<819200xi32, #tpu.memory_space<hbm>> -> memref<25600xi32, #tpu.memory_space<hbm>>
      tpu.wait_dma2 semaphore(%run_scoped3A : memref<!tpu.dma_semaphore, #tpu.memory_space<semaphore_mem>>) src(%dma_wait3A_21 : memref<25600xi32, #tpu.memory_space<hbm>>) dst(%arg7 : memref<25600xi32, #tpu.memory_space<vmem>>)
      tpu.yield
    }) : () -> ()
    %barrier3A = arith.constant 0 : index
    tpu.barrier barrier_id(%barrier3A)
    %dma_start3A = arith.constant 0 : i32
    %dma_start3A_5 = tpu.memref_slice %arg7[%dma_start3A] : memref<25600xi32, #tpu.memory_space<vmem>> -> memref<640xi32, #tpu.memory_space<vmem>>
    %dma_start3A_6 = arith.constant 0 : i32
    %dma_start3A_7 = arith.constant 0 : i32
    %dma_start3A_8 = tpu.memref_slice %arg13[%dma_start3A_6, %dma_start3A_7] : memref<201x32xf32, #tpu.memory_space<vmem_shared>> -> memref<201x32xf32, #tpu.memory_space<vmem_shared>>
    tpu.enqueue_indirect_dma source(%dma_start3A_8 : memref<201x32xf32, #tpu.memory_space<vmem_shared>>) target(%arg8 : memref<640x32xf32, #tpu.memory_space<vmem>>) offsets(%dma_start3A_5 : memref<640xi32, #tpu.memory_space<vmem>>) semaphore(%arg15 : memref<!tpu.dma_semaphore, #tpu.memory_space<semaphore_mem>>)
    %dma_start3A_9 = arith.constant 0 : i32
    %dma_start3A_10 = tpu.memref_slice %arg7[%dma_start3A_9] : memref<25600xi32, #tpu.memory_space<vmem>> -> memref<640xi32, #tpu.memory_space<vmem>>
    %dma_start3A_11 = arith.constant 0 : i32
    %dma_start3A_12 = arith.constant 0 : i32
    %dma_start3A_13 = tpu.memref_slice %arg14[%dma_start3A_11, %dma_start3A_12] : memref<201x32xf32, #tpu.memory_space<vmem_shared>> -> memref<201x32xf32, #tpu.memory_space<vmem_shared>>
    tpu.enqueue_indirect_dma source(%dma_start3A_13 : memref<201x32xf32, #tpu.memory_space<vmem_shared>>) target(%arg9 : memref<640x32xf32, #tpu.memory_space<vmem>>) offsets(%dma_start3A_10 : memref<640xi32, #tpu.memory_space<vmem>>) semaphore(%arg15 : memref<!tpu.dma_semaphore, #tpu.memory_space<semaphore_mem>>)
    %scan3A = arith.constant 0 : i32
    %scan3A_14 = arith.constant 0 : i32
    %scan3A_15 = arith.constant 20 : i32
    %scan3A_16 = arith.addi %scan3A_14, %scan3A_15 : i32
    %scan3A_17 = arith.constant 1 : i32
    scf.for %scan3A_19 = %scan3A_14 to %scan3A_16 step %scan3A_17  : i32 {
      %mul3A_20 = arith.constant 2 : i32
      %mul3A_21 = arith.muli %mul3A_20, %scan3A_19 : i32
      %dma_wait3A = arith.constant 0 : i32
      %dma_wait3A_22 = arith.constant 0 : i32
      %dma_wait3A_23 = tpu.memref_slice %arg5[%dma_wait3A, %dma_wait3A_22] : memref<819200x32xf32, #tpu.memory_space<hbm>> -> memref<640x32xf32, #tpu.memory_space<hbm>>
      %dma_wait3A_24 = arith.constant 0 : i32
      %dma_wait3A_25 = arith.constant 0 : i32
      %dma_wait3A_26 = tpu.memref_slice %arg5[%dma_wait3A_24, %dma_wait3A_25] : memref<819200x32xf32, #tpu.memory_space<hbm>> -> memref<640x32xf32, #tpu.memory_space<hbm>>
      tpu.wait_dma2 semaphore(%arg15 : memref<!tpu.dma_semaphore, #tpu.memory_space<semaphore_mem>>) src(%dma_wait3A_26 : memref<640x32xf32, #tpu.memory_space<hbm>>) dst(%arg8 : memref<640x32xf32, #tpu.memory_space<vmem>>)
      %dma_wait3A_27 = arith.constant 0 : i32
      %dma_wait3A_28 = arith.constant 0 : i32
      %dma_wait3A_29 = tpu.memref_slice %arg6[%dma_wait3A_27, %dma_wait3A_28] : memref<819200x32xf32, #tpu.memory_space<hbm>> -> memref<640x32xf32, #tpu.memory_space<hbm>>
      %dma_wait3A_30 = arith.constant 0 : i32
      %dma_wait3A_31 = arith.constant 0 : i32
      %dma_wait3A_32 = tpu.memref_slice %arg6[%dma_wait3A_30, %dma_wait3A_31] : memref<819200x32xf32, #tpu.memory_space<hbm>> -> memref<640x32xf32, #tpu.memory_space<hbm>>
      tpu.wait_dma2 semaphore(%arg15 : memref<!tpu.dma_semaphore, #tpu.memory_space<semaphore_mem>>) src(%dma_wait3A_32 : memref<640x32xf32, #tpu.memory_space<hbm>>) dst(%arg9 : memref<640x32xf32, #tpu.memory_space<vmem>>)
      %add3A_33 = arith.constant 1 : i32
      %add3A_34 = arith.addi %mul3A_21, %add3A_33 : i32
      %mul3A_35 = arith.constant 640 : i32
      %mul3A_36 = arith.muli %add3A_34, %mul3A_35 : i32
      %dma_start3A_37 = tpu.memref_slice %arg7[%mul3A_36] : memref<25600xi32, #tpu.memory_space<vmem>> -> memref<640xi32, #tpu.memory_space<vmem>>
      %dma_start3A_38 = arith.constant 0 : i32
      %dma_start3A_39 = arith.constant 0 : i32
      %dma_start3A_40 = tpu.memref_slice %arg13[%dma_start3A_38, %dma_start3A_39] : memref<201x32xf32, #tpu.memory_space<vmem_shared>> -> memref<201x32xf32, #tpu.memory_space<vmem_shared>>
      tpu.enqueue_indirect_dma source(%dma_start3A_40 : memref<201x32xf32, #tpu.memory_space<vmem_shared>>) target(%arg10 : memref<640x32xf32, #tpu.memory_space<vmem>>) offsets(%dma_start3A_37 : memref<640xi32, #tpu.memory_space<vmem>>) semaphore(%arg16 : memref<!tpu.dma_semaphore, #tpu.memory_space<semaphore_mem>>)
      %dma_start3A_41 = tpu.memref_slice %arg7[%mul3A_36] : memref<25600xi32, #tpu.memory_space<vmem>> -> memref<640xi32, #tpu.memory_space<vmem>>
      %dma_start3A_42 = arith.constant 0 : i32
      %dma_start3A_43 = arith.constant 0 : i32
      %dma_start3A_44 = tpu.memref_slice %arg14[%dma_start3A_42, %dma_start3A_43] : memref<201x32xf32, #tpu.memory_space<vmem_shared>> -> memref<201x32xf32, #tpu.memory_space<vmem_shared>>
      tpu.enqueue_indirect_dma source(%dma_start3A_44 : memref<201x32xf32, #tpu.memory_space<vmem_shared>>) target(%arg11 : memref<640x32xf32, #tpu.memory_space<vmem>>) offsets(%dma_start3A_41 : memref<640xi32, #tpu.memory_space<vmem>>) semaphore(%arg16 : memref<!tpu.dma_semaphore, #tpu.memory_space<semaphore_mem>>)
      %mul3A_45 = arith.constant 640 : i32
      %mul3A_46 = arith.muli %mul3A_21, %mul3A_45 : i32
      %add3A_47 = arith.addi %mul3A_2, %mul3A_46 : i32
      "tpu.region"() ({
        %run_scoped3A = tpu.sem_alloc : memref<!tpu.dma_semaphore, #tpu.memory_space<semaphore_mem>>
        %dma_start3A_71 = arith.constant 0 : i32
        %dma_start3A_72 = tpu.memref_slice %arg5[%add3A_47, %dma_start3A_71] : memref<819200x32xf32, #tpu.memory_space<hbm>> -> memref<640x32xf32, #tpu.memory_space<hbm>>
        %dma_start3A_73 = arith.constant 0 : i32
        %dma_start3A_74 = tpu.memref_slice %arg5[%add3A_47, %dma_start3A_73] : memref<819200x32xf32, #tpu.memory_space<hbm>> -> memref<640x32xf32, #tpu.memory_space<hbm>>
        tpu.enqueue_dma source(%arg8 : memref<640x32xf32, #tpu.memory_space<vmem>>) target(%dma_start3A_74 : memref<640x32xf32, #tpu.memory_space<hbm>>) target_semaphore(%run_scoped3A : memref<!tpu.dma_semaphore, #tpu.memory_space<semaphore_mem>>)
        %dma_wait3A_75 = arith.constant 0 : i32
        %dma_wait3A_76 = tpu.memref_slice %arg5[%add3A_47, %dma_wait3A_75] : memref<819200x32xf32, #tpu.memory_space<hbm>> -> memref<640x32xf32, #tpu.memory_space<hbm>>
        %dma_wait3A_77 = arith.constant 0 : i32
        %dma_wait3A_78 = tpu.memref_slice %arg5[%add3A_47, %dma_wait3A_77] : memref<819200x32xf32, #tpu.memory_space<hbm>> -> memref<640x32xf32, #tpu.memory_space<hbm>>
        tpu.wait_dma2 semaphore(%run_scoped3A : memref<!tpu.dma_semaphore, #tpu.memory_space<semaphore_mem>>) src(%arg8 : memref<640x32xf32, #tpu.memory_space<vmem>>) dst(%dma_wait3A_78 : memref<640x32xf32, #tpu.memory_space<hbm>>)
        tpu.yield
      }) : () -> ()
      "tpu.region"() ({
        %run_scoped3A = tpu.sem_alloc : memref<!tpu.dma_semaphore, #tpu.memory_space<semaphore_mem>>
        %dma_start3A_71 = arith.constant 0 : i32
        %dma_start3A_72 = tpu.memref_slice %arg6[%add3A_47, %dma_start3A_71] : memref<819200x32xf32, #tpu.memory_space<hbm>> -> memref<640x32xf32, #tpu.memory_space<hbm>>
        %dma_start3A_73 = arith.constant 0 : i32
        %dma_start3A_74 = tpu.memref_slice %arg6[%add3A_47, %dma_start3A_73] : memref<819200x32xf32, #tpu.memory_space<hbm>> -> memref<640x32xf32, #tpu.memory_space<hbm>>
        tpu.enqueue_dma source(%arg9 : memref<640x32xf32, #tpu.memory_space<vmem>>) target(%dma_start3A_74 : memref<640x32xf32, #tpu.memory_space<hbm>>) target_semaphore(%run_scoped3A : memref<!tpu.dma_semaphore, #tpu.memory_space<semaphore_mem>>)
        %dma_wait3A_75 = arith.constant 0 : i32
        %dma_wait3A_76 = tpu.memref_slice %arg6[%add3A_47, %dma_wait3A_75] : memref<819200x32xf32, #tpu.memory_space<hbm>> -> memref<640x32xf32, #tpu.memory_space<hbm>>
        %dma_wait3A_77 = arith.constant 0 : i32
        %dma_wait3A_78 = tpu.memref_slice %arg6[%add3A_47, %dma_wait3A_77] : memref<819200x32xf32, #tpu.memory_space<hbm>> -> memref<640x32xf32, #tpu.memory_space<hbm>>
        tpu.wait_dma2 semaphore(%run_scoped3A : memref<!tpu.dma_semaphore, #tpu.memory_space<semaphore_mem>>) src(%arg9 : memref<640x32xf32, #tpu.memory_space<vmem>>) dst(%dma_wait3A_78 : memref<640x32xf32, #tpu.memory_space<hbm>>)
        tpu.yield
      }) : () -> ()
      %dma_wait3A_48 = arith.constant 0 : i32
      %dma_wait3A_49 = arith.constant 0 : i32
      %dma_wait3A_50 = tpu.memref_slice %arg5[%dma_wait3A_48, %dma_wait3A_49] : memref<819200x32xf32, #tpu.memory_space<hbm>> -> memref<640x32xf32, #tpu.memory_space<hbm>>
      %dma_wait3A_51 = arith.constant 0 : i32
      %dma_wait3A_52 = arith.constant 0 : i32
      %dma_wait3A_53 = tpu.memref_slice %arg5[%dma_wait3A_51, %dma_wait3A_52] : memref<819200x32xf32, #tpu.memory_space<hbm>> -> memref<640x32xf32, #tpu.memory_space<hbm>>
      tpu.wait_dma2 semaphore(%arg16 : memref<!tpu.dma_semaphore, #tpu.memory_space<semaphore_mem>>) src(%dma_wait3A_53 : memref<640x32xf32, #tpu.memory_space<hbm>>) dst(%arg10 : memref<640x32xf32, #tpu.memory_space<vmem>>)
      %dma_wait3A_54 = arith.constant 0 : i32
      %dma_wait3A_55 = arith.constant 0 : i32
      %dma_wait3A_56 = tpu.memref_slice %arg6[%dma_wait3A_54, %dma_wait3A_55] : memref<819200x32xf32, #tpu.memory_space<hbm>> -> memref<640x32xf32, #tpu.memory_space<hbm>>
      %dma_wait3A_57 = arith.constant 0 : i32
      %dma_wait3A_58 = arith.constant 0 : i32
      %dma_wait3A_59 = tpu.memref_slice %arg6[%dma_wait3A_57, %dma_wait3A_58] : memref<819200x32xf32, #tpu.memory_space<hbm>> -> memref<640x32xf32, #tpu.memory_space<hbm>>
      tpu.wait_dma2 semaphore(%arg16 : memref<!tpu.dma_semaphore, #tpu.memory_space<semaphore_mem>>) src(%dma_wait3A_59 : memref<640x32xf32, #tpu.memory_space<hbm>>) dst(%arg11 : memref<640x32xf32, #tpu.memory_space<vmem>>)
      %add3A_60 = arith.constant 2 : i32
      %add3A_61 = arith.addi %mul3A_21, %add3A_60 : i32
      %lt3A = arith.constant 40 : i32
      %lt3A_62 = arith.cmpi slt, %add3A_61, %lt3A : i32
      %convert_element_type3A_63 = arith.extui %lt3A_62 : i1 to i32
      %cond3A_64 = arith.constant 0 : i32
      %cond3A_65 = arith.cmpi ne, %convert_element_type3A_63, %cond3A_64 : i32
      scf.if %cond3A_65 {
        %add3A_71 = arith.constant 2 : i32
        %add3A_72 = arith.addi %mul3A_21, %add3A_71 : i32
        %mul3A_73 = arith.constant 640 : i32
        %mul3A_74 = arith.muli %add3A_72, %mul3A_73 : i32
        %dma_start3A_75 = tpu.memref_slice %arg7[%mul3A_74] : memref<25600xi32, #tpu.memory_space<vmem>> -> memref<640xi32, #tpu.memory_space<vmem>>
        %dma_start3A_76 = arith.constant 0 : i32
        %dma_start3A_77 = arith.constant 0 : i32
        %dma_start3A_78 = tpu.memref_slice %arg13[%dma_start3A_76, %dma_start3A_77] : memref<201x32xf32, #tpu.memory_space<vmem_shared>> -> memref<201x32xf32, #tpu.memory_space<vmem_shared>>
        tpu.enqueue_indirect_dma source(%dma_start3A_78 : memref<201x32xf32, #tpu.memory_space<vmem_shared>>) target(%arg8 : memref<640x32xf32, #tpu.memory_space<vmem>>) offsets(%dma_start3A_75 : memref<640xi32, #tpu.memory_space<vmem>>) semaphore(%arg15 : memref<!tpu.dma_semaphore, #tpu.memory_space<semaphore_mem>>)
        %dma_start3A_79 = tpu.memref_slice %arg7[%mul3A_74] : memref<25600xi32, #tpu.memory_space<vmem>> -> memref<640xi32, #tpu.memory_space<vmem>>
        %dma_start3A_80 = arith.constant 0 : i32
        %dma_start3A_81 = arith.constant 0 : i32
        %dma_start3A_82 = tpu.memref_slice %arg14[%dma_start3A_80, %dma_start3A_81] : memref<201x32xf32, #tpu.memory_space<vmem_shared>> -> memref<201x32xf32, #tpu.memory_space<vmem_shared>>
        tpu.enqueue_indirect_dma source(%dma_start3A_82 : memref<201x32xf32, #tpu.memory_space<vmem_shared>>) target(%arg9 : memref<640x32xf32, #tpu.memory_space<vmem>>) offsets(%dma_start3A_79 : memref<640xi32, #tpu.memory_space<vmem>>) semaphore(%arg15 : memref<!tpu.dma_semaphore, #tpu.memory_space<semaphore_mem>>)
      } else {
      }
      %add3A_66 = arith.constant 1 : i32
      %add3A_67 = arith.addi %mul3A_21, %add3A_66 : i32
      %mul3A_68 = arith.constant 640 : i32
      %mul3A_69 = arith.muli %add3A_67, %mul3A_68 : i32
      %add3A_70 = arith.addi %mul3A_2, %mul3A_69 : i32
      "tpu.region"() ({
        %run_scoped3A = tpu.sem_alloc : memref<!tpu.dma_semaphore, #tpu.memory_space<semaphore_mem>>
        %dma_start3A_71 = arith.constant 0 : i32
        %dma_start3A_72 = tpu.memref_slice %arg5[%add3A_70, %dma_start3A_71] : memref<819200x32xf32, #tpu.memory_space<hbm>> -> memref<640x32xf32, #tpu.memory_space<hbm>>
        %dma_start3A_73 = arith.constant 0 : i32
        %dma_start3A_74 = tpu.memref_slice %arg5[%add3A_70, %dma_start3A_73] : memref<819200x32xf32, #tpu.memory_space<hbm>> -> memref<640x32xf32, #tpu.memory_space<hbm>>
        tpu.enqueue_dma source(%arg10 : memref<640x32xf32, #tpu.memory_space<vmem>>) target(%dma_start3A_74 : memref<640x32xf32, #tpu.memory_space<hbm>>) target_semaphore(%run_scoped3A : memref<!tpu.dma_semaphore, #tpu.memory_space<semaphore_mem>>)
        %dma_wait3A_75 = arith.constant 0 : i32
        %dma_wait3A_76 = tpu.memref_slice %arg5[%add3A_70, %dma_wait3A_75] : memref<819200x32xf32, #tpu.memory_space<hbm>> -> memref<640x32xf32, #tpu.memory_space<hbm>>
        %dma_wait3A_77 = arith.constant 0 : i32
        %dma_wait3A_78 = tpu.memref_slice %arg5[%add3A_70, %dma_wait3A_77] : memref<819200x32xf32, #tpu.memory_space<hbm>> -> memref<640x32xf32, #tpu.memory_space<hbm>>
        tpu.wait_dma2 semaphore(%run_scoped3A : memref<!tpu.dma_semaphore, #tpu.memory_space<semaphore_mem>>) src(%arg10 : memref<640x32xf32, #tpu.memory_space<vmem>>) dst(%dma_wait3A_78 : memref<640x32xf32, #tpu.memory_space<hbm>>)
        tpu.yield
      }) : () -> ()
      "tpu.region"() ({
        %run_scoped3A = tpu.sem_alloc : memref<!tpu.dma_semaphore, #tpu.memory_space<semaphore_mem>>
        %dma_start3A_71 = arith.constant 0 : i32
        %dma_start3A_72 = tpu.memref_slice %arg6[%add3A_70, %dma_start3A_71] : memref<819200x32xf32, #tpu.memory_space<hbm>> -> memref<640x32xf32, #tpu.memory_space<hbm>>
        %dma_start3A_73 = arith.constant 0 : i32
        %dma_start3A_74 = tpu.memref_slice %arg6[%add3A_70, %dma_start3A_73] : memref<819200x32xf32, #tpu.memory_space<hbm>> -> memref<640x32xf32, #tpu.memory_space<hbm>>
        tpu.enqueue_dma source(%arg11 : memref<640x32xf32, #tpu.memory_space<vmem>>) target(%dma_start3A_74 : memref<640x32xf32, #tpu.memory_space<hbm>>) target_semaphore(%run_scoped3A : memref<!tpu.dma_semaphore, #tpu.memory_space<semaphore_mem>>)
        %dma_wait3A_75 = arith.constant 0 : i32
        %dma_wait3A_76 = tpu.memref_slice %arg6[%add3A_70, %dma_wait3A_75] : memref<819200x32xf32, #tpu.memory_space<hbm>> -> memref<640x32xf32, #tpu.memory_space<hbm>>
        %dma_wait3A_77 = arith.constant 0 : i32
        %dma_wait3A_78 = tpu.memref_slice %arg6[%add3A_70, %dma_wait3A_77] : memref<819200x32xf32, #tpu.memory_space<hbm>> -> memref<640x32xf32, #tpu.memory_space<hbm>>
        tpu.wait_dma2 semaphore(%run_scoped3A : memref<!tpu.dma_semaphore, #tpu.memory_space<semaphore_mem>>) src(%arg11 : memref<640x32xf32, #tpu.memory_space<vmem>>) dst(%dma_wait3A_78 : memref<640x32xf32, #tpu.memory_space<hbm>>)
        tpu.yield
      }) : () -> ()
    }
    %scan3A_18 = arith.constant 20 : i32
    return
  }
}

</mosaic_0001>

<sc_bundles>
// kernel: kernel.3.cloned.1.call-start
scs
__scs_entry_jumppad:
0x0: {  	(pc) =	sbr.rel $0x88, $3  }
0x1: {  	(tag) =	ssettag $0x0;
	lr =	simm.s32 $0x1  }
0x2: {  	[smem:$0x3F9E] =	sst lr;
	_ =	strace $0xD0000000  }
0x3: {  	_ = 	snop  }
0x4: {  	_ = 	snop  }
0x5: {  	_ = 	snop  }
0x6: {  	_ = 	snop  }
0x7: {  	_ = 	snop  }
__scs_overlays_trampoline_lowered:
0x8: {  	[smem:$0x3FAD] =	sst s0  }
0x9: {  	[smem:$0x3FAE] =	sst s1  }
0xa: {  	[smem:$0x3FAF] =	sst s2  }
0xb: {  	[smem:$0x3FB0] =	sst s3  }
0xc: {  	[smem:$0x3FB1] =	sst s4  }
0xd: {  	[smem:$0x3FB2] =	sst s5  }
0xe: {  	[smem:$0x3FB3] =	sst s6  }
0xf: {  	[smem:$0x3FB4] =	sst s7  }
0x10: {  	[smem:$0x3FB5] =	sst s8  }
0x11: {  	[smem:$0x3FB6] =	sst s9;
	s0 =	simm.s32 @!p0 $0x0  }
0x12: {  	s1 =	sld [smem:$0x3F9C];
	s0 =	simm.s32 @p0 $0x1  }
0x13: {  	[smem:$0x3FB7] =	sst s0;
	s0 =	simm.s32 @!p1 $0x0  }
0x14: {  	s2 =	sld [smem:$0x3F9B];
	s0 =	simm.s32 @p1 $0x1  }
0x15: {  	[smem:$0x3FB8] =	sst s0;
	s0 =	simm.s32 @!p2 $0x0  }
0x16: {  	s3 =	sld [smem:$0x3FDB];
	s0 =	simm.s32 @p2 $0x1  }
0x17: {  	s4 =	simm.s32 $0x1BF5;
	[smem:$0x3FBA] =	sst s0  }
0x18: {  	s0 =	sld [smem:$0x3F9D];
	_ =	swait.ge [sflag:s4], $0x0  }
0x19: {  	s7 =	sld [smem:$0x3F9E]  }
0x1a: {  	s8 =	sadd.s32 $0xFFFFE003, lr  }
0x1b: {  	s9 =	sadd.s32 $0xFFFFFEF7, lr;
	s5 =	simm.s32 $0xFFFFFFFF;
	p2 =	slt.u32 s8, $0xFFFFF086  }
0x1c: {  	p1 =	slt.u32 s9, $0xF7A;
	s5 =	simm.s32 @!p2 $0x0  }
0x1d: {  	s5 =	simm.s32 @p1 $0x1;
	p0 =	seq.s32 s7, s2  }
0x1e: {  	s7 =	smul.u32 @!p0 $0xF7A, s2;
	p2 =	seq.s32 @!p0 s5, $0x0  }
0x1f: {  	s9 =	smul.u32 $0xF7A, s1;
	s8 =	simm.s32 @!p0 $0x1BF5;
	p2 =	por !p2, p0  }
0x20: {  	[sflag:s8] =	ssyncset.s32 @!p0 $0xFFFFF086;
	s6 =	sadd.s32 @!p0 s3, s7;
	s7 =	simm.s32 @!p0 $0x108  }
0x21: {  	s3 =	sadd.s32 s3, s9;
	s6 =	sadd.s32 @!p0 $0x88, s6;
	s7 =	simm.s32 @p2 $0x1082  }
0x22: {  	[simem:s7], [sflag:s8] =	dma.local @!p0 [hbm:s6], $0xF7A  }
0x23: {  	s9 =	sor.u32 $0xD0000000, s2;
	s6 =	simm.s32 $0x108;
	_ =	swait.ge @!p0 [sflag:s8], $0x0  }
0x24: {  	s3 =	sadd.s32 $0x88, s3;
	s6 =	simm.s32 @!p1 $0x1082;
	[sflag:s4] =	ssyncset.s32 $0xFFFFF086  }
0x25: {  	[simem:s6], [sflag:s4] =	dma.local [hbm:s3], $0xF7A  }
0x26: {  	[smem:$0x3F9E] =	sst s1;
	(tag) =	ssettag s2;
	_ =	strace s9  }
0x27: {  	s1 =	sld [smem:$0x3FAE]  }
0x28: {  	s2 =	sld [smem:$0x3FAF]  }
0x29: {  	s4 =	sld [smem:$0x3FB1]  }
0x2a: {  	p0 =	seq.s32 s5, $0x0;
	s5 =	sld [smem:$0x3FB2]  }
0x2b: {  	s6 =	sld [smem:$0x3FB3]  }
0x2c: {  	s7 =	sld [smem:$0x3FB4]  }
0x2d: {  	s3 =	simm.s32 $0x108;
	s8 =	sld [smem:$0x3FB5]  }
0x2e: {  	s3 =	simm.s32 @!p0 $0x1082;
	s9 =	sld [smem:$0x3FB6]  }
0x2f: {  	lr =	sadd.s32 s0, s3;
	s0 =	sld [smem:$0x3FAD]  }
0x30: {  	s3 =	sld [smem:$0x3FB0]  }
0x31: {  	[smem:$0x3FB9] =	sst s10  }
0x32: {  	s10 =	sld [smem:$0x3FB7];
	_ =	sdelay $0x3  }
0x33: {  	p0 =	seq.s32 s10, $0x1;
	s10 =	sld [smem:$0x3FB9];
	_ =	sdelay $0x3  }
0x34: {  	[smem:$0x3FB9] =	sst s10  }
0x35: {  	s10 =	sld [smem:$0x3FB8];
	_ =	sdelay $0x3  }
0x36: {  	p1 =	seq.s32 s10, $0x1;
	s10 =	sld [smem:$0x3FB9];
	_ =	sdelay $0x3  }
0x37: {  	[smem:$0x3FB9] =	sst s10  }
0x38: {  	s10 =	sld [smem:$0x3FBA]  }
0x39: {  	_ = 	snop;
	(pc) =	sbr.ind lr, $3  }
0x3a: {  	_ = 	snop  }
0x3b: {  	_ = 	snop  }
0x3c: {  	p2 =	seq.s32 s10, $0x1;
	s10 =	sld [smem:$0x3FB9]  }
0x3d: {  	_ =	shalt  }
0x3e: {  	_ =	shalt  }
0x3f: {  	_ =	shalt  }
0x40: {  	_ =	shalt  }
0x41: {  	_ =	shalt  }
0x42: {  	_ =	shalt  }
0x43: {  	_ =	shalt  }
0x44: {  	_ =	shalt  }
0x45: {  	_ =	shalt  }
0x46: {  	_ =	shalt  }
0x47: {  	_ =	shalt  }
0x48: {  	_ =	shalt  }
0x49: {  	_ =	shalt  }
0x4a: {  	_ =	shalt  }
0x4b: {  	_ =	shalt  }
0x4c: {  	_ =	shalt  }
0x4d: {  	_ =	shalt  }
0x4e: {  	_ =	shalt  }
0x4f: {  	_ =	shalt  }
0x50: {  	_ =	shalt  }
0x51: {  	_ =	shalt  }
0x52: {  	_ =	shalt  }
0x53: {  	_ =	shalt  }
0x54: {  	_ =	shalt  }
0x55: {  	_ =	shalt  }
0x56: {  	_ =	shalt  }
0x57: {  	_ =	shalt  }
0x58: {  	_ =	shalt  }
0x59: {  	_ =	shalt  }
0x5a: {  	_ =	shalt  }
0x5b: {  	_ =	shalt  }
0x5c: {  	_ =	shalt  }
0x5d: {  	_ =	shalt  }
0x5e: {  	_ =	shalt  }
0x5f: {  	_ =	shalt  }
0x60: {  	_ =	shalt  }
0x61: {  	_ =	shalt  }
0x62: {  	_ =	shalt  }
0x63: {  	_ =	shalt  }
0x64: {  	_ =	shalt  }
0x65: {  	_ =	shalt  }
0x66: {  	_ =	shalt  }
0x67: {  	_ =	shalt  }
0x68: {  	_ =	shalt  }
0x69: {  	_ =	shalt  }
0x6a: {  	_ =	shalt  }
0x6b: {  	_ =	shalt  }
0x6c: {  	_ =	shalt  }
0x6d: {  	_ =	shalt  }
0x6e: {  	_ =	shalt  }
0x6f: {  	_ =	shalt  }
0x70: {  	_ =	shalt  }
0x71: {  	_ =	shalt  }
0x72: {  	_ =	shalt  }
0x73: {  	_ =	shalt  }
0x74: {  	_ =	shalt  }
0x75: {  	_ =	shalt  }
0x76: {  	_ =	shalt  }
0x77: {  	_ =	shalt  }
0x78: {  	_ =	shalt  }
0x79: {  	_ =	shalt  }
0x7a: {  	_ =	shalt  }
0x7b: {  	_ =	shalt  }
0x7c: {  	_ =	shalt  }
0x7d: {  	_ =	shalt  }
0x7e: {  	_ =	shalt  }
0x7f: {  	_ =	shalt  }
0x80: {  	_ =	shalt  }
0x81: {  	_ =	shalt  }
0x82: {  	_ =	shalt  }
0x83: {  	_ =	shalt  }
0x84: {  	_ =	shalt  }
0x85: {  	_ =	shalt  }
0x86: {  	_ =	shalt  }
0x87: {  	_ =	shalt  }
.Lfunc_end0:
.L_simem_size_0:
called_computation.2_lowered:
.L_overlay_start_0:
0x88: {  	s2 =	sld [smem:$0x3FD9]  }
0x89: {  	s3 =	sld [smem:$0x3FFE];
	_ =	sdelay $0x1  }
0x8a: {  	s1 =	srdreg.scid  }
0x8b: {  	s0 =	sand.u32 $0x1, s1  }
0x8c: {  	s14 =	sshll.u32 s0, $0xA;
	s2 =	sadd.s32 s3, s2  }
0x8d: {  	s2 =	sadd.s32 s2, s14  }
0x8e: {  	[smem:$0x3FC5] =	sst s2  }
0x8f: {  	_ = 	snop  }
0x90: {  	s2 =	sld [smem:$0x3FD0];
	_ =	sdelay $0x2  }
0x91: {  	s15 =	simm.s32 $0xB;
	s4 =	simm.s32 $0x10  }
0x92: {  	[smem:s4], [sflag:s15] =	dma.local [hbm:s2], $0x1  }
0x93: {  	_ =	swait.eq [sflag:s15], $0x1  }
0x94: {  	[sflag:s15] =	ssyncset.done $0x0  }
0x95: {  	s16 =	sld [smem:$0x10];
	[sflag:s15] =	ssyncadd.s32 $0xFFFFFFFF  }
0x96: {  	s17 =	sld [smem:$0x11];
	(tm) =	ssettm $0x1  }
0x97: {  	s18 =	sld [smem:$0x3FFB];
	_ =	sdelay $0x3  }
0x98: {  	_ =	strace s18  }
0x99: {  	s4 =	sld [smem:$0x3FFC];
	_ =	sdelay $0x3  }
0x9a: {  	_ =	strace s4  }
0x9b: {  	s4 =	sld [smem:$0x3FFD];
	_ =	sdelay $0x3  }
0x9c: {  	_ =	strace s4  }
0x9d: {  	_ =	strace $0x8FFFFFFF  }
0x9e: {  	s19 =	sld [smem:$0x3FDB];
	_ =	sdelay $0x1  }
0x9f: {  	s5 =	simm.s32 $_scs_section_size  }
0xa0: {  	s6 =	simm.s32 $_size__tile_overlayer_lowered;
	s7 =	simm.s32 $_tile_overlayer_lowered  }
0xa1: {  	s22 =	simm.s32 $0x1BFF;
	s21 =	sshll.u32 s7, $0x1;
	s4 =	sadd.s32 s5, s19  }
0xa2: {  	s8 =	simm.s32 $0x0;
	s20 =	sshll.u32 s6, $0x1;
	s6 =	sadd.s32 s21, s4  }
0xa3: {  	[timem:s8], [sflag:s22] =	dma.local [hbm:s6], s20  }
0xa4: {  	_ =	swait.ge [sflag:s22], s20  }
0xa5: {  	s5 =	ssub.s32 $0x0, s20;
	[sflag:s22] =	ssyncset.done $0x0  }
0xa6: {  	[sflag:s22] =	ssyncadd.s32 s5;
	_ =	sdelay $0x1  }
0xa7: {  	s23 =	simm.s32 $0x1B8B  }
0xa8: {  	_ =	swait.ge [sflag:s23], $0x1  }
0xa9: {  	[sflag:s23] =	ssyncset.done $0x0  }
0xaa: {  	s25 =	simm.s32 $0x1B8E;
	s24 =	sld [smem:$0x3FFE];
	[sflag:s23] =	ssyncadd.s32 $0xFFFFFFFF  }
0xab: {  	s26 =	simm.s32 $execute0_lowered;
	[smem:$0x3FD2] =	sst s25  }
0xac: {  	s6 =	sshll.u32 s26, $0x1;
	_ =	strace $0x80000046;
	[dreg:$0x1] =	wrdreg $0xFFFFFFFF  }
0xad: {  	s28 =	simm.s32 $_size_execute0_lowered;
	s4 =	sadd.s32 s4, s6;
	[dreg:$0x0] =	wrdreg $0x0  }
0xae: {  	s6 =	sshll.u32 s28, $0x1;
	[dreg:$0x2] =	wrdreg s4  }
0xaf: {  	[dreg:$0x3] =	wrdreg s6  }
0xb0: {  	[dreg:$0x4] =	wrdreg $0xC0  }
0xb1: {  	_ =	task [dreg:s8], $0x5FFFF  }
0xb2: {  	[dreg:$0x1] =	wrdreg $0xFFFFFFFF  }
0xb3: {  	[dreg:$0x0] =	wrdreg $0x60  }
0xb4: {  	[dreg:$0x2] =	wrdreg s24  }
0xb5: {  	[dreg:$0x3] =	wrdreg s16  }
0xb6: {  	[dreg:$0x4] =	wrdreg s17  }
0xb7: {  	[dreg:$0x5] =	wrdreg $0x1BD200  }
0xb8: {  	[dreg:$0x6] =	wrdreg $0x1BEB80  }
0xb9: {  	[dreg:$0x7] =	wrdreg $0x9  }
0xba: {  	_ =	task.clear_ibuf [dreg:s8], $0x8FFFF;
	_ =	strace $0x90000046  }
0xbb: {  	s29 =	simm.s32 $0x9;
	_ =	strace $0x80000048  }
0xbc: {  	_ =	swait.ge [sflag:s29], $0x1  }
0xbd: {  	[sflag:s29] =	ssyncadd.s32 $0xFFFFFFFF  }
0xbe: {  	_ =	strace $0x90000048  }
0xbf: {  	_ =	sfence  }
0xc0: {  	s30 =	sld [smem:$0x0];
	_ =	sdelay $0x2  }
0xc1: {  	s31 =	sshll.u32 s1, $0xD;
	s1 =	sshrl.u32 s1, $0x2  }
0xc2: {  	s3 =	sand.u32 $0x4000, s31;
	s1 =	sadd.s32 s1, s30  }
0xc3: {  	s0 =	sor.u32 s3, s0;
	s1 =	sshll.u32 s1, $0x11  }
0xc4: {  	s0 =	sor.u32 s1, s0  }
0xc5: {  	s0 =	sadd.s32 $0x8F2B, s0  }
0xc6: {  	[sflag:s0] =	ssyncadd.remote.s32 $0x1  }
0xc7: {  	_ =	sfence.sel $0xFFFF  }
0xc8: {  	[dreg:$0x0] =	wrdreg $0xFFFFFFFF;
	(pc) =	sbr.abs _section_cstart, $3  }
0xc9: {  	[dreg:$0x1] =	wrdreg $0xFFFFFFFF  }
0xca: {  	_ =	task.clear_ibuf [dreg:s8], $0x2FFFF;
	_ =	strace $0x9FFFFFFF  }
0xcb: {  	(tm) =	ssettm $0x7FFFFFFF  }
tec
execute0_lowered:
.L_overlay_start_1:
0x0: {  	(tag) =	ssettag $0x1  }
0x1: {  	s5 =	rddreg [dreg:$0x0]  }
0x2: {  	s14 =	rddreg [dreg:$0x1]  }
0x3: {  	s15 =	rddreg [dreg:$0x2]  }
0x4: {  	s0 =	srdreg.scid;
	s1 =	rddreg [dreg:$0x3]  }
0x5: {  	s16 =	stileid.u32;
	s2 =	rddreg [dreg:$0x4]  }
0x6: {  	s3 =	simm.s32 $0x0;
	s20 =	simm.s32 $0x1;
	s21 =	simm.s32 $0x10400  }
0x7: {  	s22 =	simm.s32 $0x15400;
	s23 =	simm.s32 $0x2;
	s24 =	simm.s32 $0x6180  }
0x8: {  	s25 =	simm.s32 $0x0;
	s12 =	sand.u32 $0x1, s0;
	s11 =	smul.u32 $0xC800, s16  }
0x9: {  	s26 =	sshll.u32 s16, $0x1;
	s0 =	rddreg [dreg:$0x5];
	s18 =	smul.u32 $0x32000, s16  }
0xa: {  	[smem:$0x7FF] =	sst s3;
	p0 =	sne.s32 s16, $0x0;
	s13 =	smul.u32 $0x6400, s12  }
0xb: {  	s16 =	simm.s32 $0x3;
	s6 =	sor.u32 s12, s26;
	s29 =	smul.u32 $0x19000, s12  }
0xc: {  	_ =	strace $0x80000047;
	s8 =	ssub.s32 $0x2, s12;
	s4 =	smul.u32 $0x6400, s6  }
0xd: {  	s9 =	sshrl.u32 s8, $0x1;
	s10 =	smul.u32 $0x19000, s6;
	s31 =	sadd.s32 s18, s15  }
0xe: {  	s18 =	sadd.s32 s18, s14;
	s8 =	ssub.s32 s8, s9;
	s13 =	sadd.s32 s13, s11  }
0xf: {  	s12 =	sadd.s32 s29, s31;
	s4 =	sshrl.u32 s4, $0x3;
	s28 =	sadd.s32 $0x17C00, s10  }
0x10: {  	s17 =	sadd.s32 $0x18600, s10;
	s30 =	sshll.u32 s13, $0x2;
	s13 =	sadd.s32 s29, s18  }
0x11: {  	s18 =	simm.s32 $0x6400;
	s7 =	sadd.s32 s4, s5;
	s4 =	sadd.s32 $0x1000, s5  }
0x12: {  	s5 =	sadd.s32 $0x1400, s5;
	s9 =	sadd.s32 s15, s28;
	s10 =	sadd.s32 s14, s17  }
0x13: {  	s11 =	sadd.s32 s15, s17;
	s19 =	sor.u32 $0xA00, s30;
	s17 =	simm.s32 $0x280  }
0x14: {  	s6 =	sadd.s32 $0x1800, s7;
	s7 =	smax.u32 s8, $0x1;
	s8 =	sadd.s32 s14, s28  }
0x15: {  	s14 =	sadd.s32 s19, s14;
	s15 =	sadd.s32 s19, s15;
	s19 =	simm.s32 $0xB400  }
.LBB2_1:
0x16: {  	s26 =	simm.s32 @!p0 $0x0;
	s28 =	simm.s32 @!p0 $0x1A400;
	s29 =	simm.s32 @!p0 $0x3  }
0x17: {  	[tilespmem:s28], [sflag:$0x3] =	stream.linear.gather @!p0 [hbm4b:s4+s26], $0x1920, $0x38;
	[tilespmem:$0x1C050] =	vst v63  }
0x18: {  	_ =	swait.ge @!p0 [sflag:s29], $0x1920  }
0x19: {  	[sflag:s29] =	ssyncset.done @!p0 $0x0  }
0x1a: {  	[sflag:s29] =	ssyncadd.s32 @!p0 $0xFFFFE6E0  }
0x1b: {  	[spmem:s1] =	stream.linear.scatter @!p0 [tilespmem:s28], [sflag:$0x3], $0x1920, $0x38;
	[tilespmem:$0x1C050] =	vst v63  }
0x1c: {  	_ =	swait.ge @!p0 [sflag:s29], $0x1920  }
0x1d: {  	[sflag:s29] =	ssyncset.done @!p0 $0x0  }
0x1e: {  	[sflag:s29] =	ssyncadd.s32 @!p0 $0xFFFFE6E0  }
0x1f: {  	[tilespmem:s28], [sflag:$0x3] =	stream.linear.gather @!p0 [hbm4b:s5+s26], $0x1920, $0x38;
	[tilespmem:$0x1C050] =	vst v63  }
0x20: {  	_ =	swait.ge @!p0 [sflag:s29], $0x1920  }
0x21: {  	[sflag:s29] =	ssyncset.done @!p0 $0x0  }
0x22: {  	[sflag:s29] =	ssyncadd.s32 @!p0 $0xFFFFE6E0  }
0x23: {  	[spmem:s2] =	stream.linear.scatter @!p0 [tilespmem:s28], [sflag:$0x3], $0x1920, $0x38;
	[tilespmem:$0x1C050] =	vst v63  }
0x24: {  	_ =	swait.ge @!p0 [sflag:s29], $0x1920  }
0x25: {  	[sflag:s29] =	ssyncset.done @!p0 $0x0  }
0x26: {  	[sflag:s29] =	ssyncadd.s32 @!p0 $0xFFFFE6E0  }
0x27: {  	[tilespmem:s3], [sflag:$0x3] =	stream.linear.gather [hbm4b:s6+s3], $0x6400, $0x38;
	[tilespmem:$0x1C050] =	vst v63  }
0x28: {  	_ =	swait.ge [sflag:s16], $0x6400  }
0x29: {  	[sflag:s16] =	ssyncset.done $0x0  }
0x2a: {  	[sflag:s16] =	ssyncadd.s32 $0xFFFF9C00  }
0x2b: {  	[bflag:$0x0] =	sbarrier.arrive $0xFFFF  }
0x2c: {  	[tilespmem:s18], [sflag:$0x1] =	stream.indirect.gather [spmem:s1], $0x20, s3, s17, $0xb8;
	[tilespmem:$0x1C050] =	vst v63  }
0x2d: {  	_ = 	snop  }
0x2e: {  	[tilespmem:s19], [sflag:$0x1] =	stream.indirect.gather [spmem:s2], $0x20, s3, s17, $0xb8;
	[tilespmem:$0x1C050] =	vst v63  }
0x2f: {  	_ =	swait.ge [sflag:s20], $0x5000  }
0x30: {  	[sflag:s20] =	ssyncset.done $0x0  }
0x31: {  	[sflag:s20] =	ssyncadd.s32 $0xFFFFB000  }
0x32: {  	_ =	swait.ge [sflag:s20], $0x5000  }
0x33: {  	[sflag:s20] =	ssyncset.done $0x0  }
0x34: {  	s30 =	simm.s32 $0x280;
	[sflag:s20] =	ssyncadd.s32 $0xFFFFB000  }
0x35: {  	[tilespmem:s21], [sflag:$0x2] =	stream.indirect.gather [spmem:s1], $0x20, s30, s17, $0xb8;
	[tilespmem:$0x1C050] =	vst v63  }
0x36: {  	_ = 	snop  }
0x37: {  	[tilespmem:s22], [sflag:$0x2] =	stream.indirect.gather [spmem:s2], $0x20, s30, s17, $0xb8;
	[tilespmem:$0x1C050] =	vst v63  }
0x38: {  	s31 =	sadd.s32 $0x0, s13  }
0x39: {  	[hbm4b:s31+s3] =	stream.linear.scatter [tilespmem:s18], [sflag:$0x3], $0x5000, $0x38;
	[tilespmem:$0x1C050] =	vst v63  }
0x3a: {  	_ =	swait.ge [sflag:s16], $0x5000  }
0x3b: {  	[sflag:s16] =	ssyncset.done $0x0  }
0x3c: {  	s28 =	sadd.s32 $0x0, s12;
	[sflag:s16] =	ssyncadd.s32 $0xFFFFB000  }
0x3d: {  	[hbm4b:s28+s3] =	stream.linear.scatter [tilespmem:s19], [sflag:$0x3], $0x5000, $0x38;
	[tilespmem:$0x1C050] =	vst v63  }
0x3e: {  	_ =	swait.ge [sflag:s16], $0x5000  }
0x3f: {  	[sflag:s16] =	ssyncset.done $0x0  }
0x40: {  	[sflag:s16] =	ssyncadd.s32 $0xFFFFB000  }
0x41: {  	_ =	swait.ge [sflag:s23], $0x5000  }
0x42: {  	[sflag:s23] =	ssyncset.done $0x0  }
0x43: {  	[sflag:s23] =	ssyncadd.s32 $0xFFFFB000  }
0x44: {  	_ =	swait.ge [sflag:s23], $0x5000  }
0x45: {  	[sflag:s23] =	ssyncset.done $0x0  }
0x46: {  	s29 =	simm.s32 $0x500;
	[sflag:s23] =	ssyncadd.s32 $0xFFFFB000  }
0x47: {  	[tilespmem:s18], [sflag:$0x1] =	stream.indirect.gather [spmem:s1], $0x20, s29, s17, $0xb8;
	[tilespmem:$0x1C050] =	vst v63  }
0x48: {  	_ = 	snop  }
0x49: {  	[tilespmem:s19], [sflag:$0x1] =	stream.indirect.gather [spmem:s2], $0x20, s29, s17, $0xb8;
	[tilespmem:$0x1C050] =	vst v63  }
0x4a: {  	s30 =	sadd.s32 $0x0, s14  }
0x4b: {  	[hbm4b:s30+s3] =	stream.linear.scatter [tilespmem:s21], [sflag:$0x3], $0x5000, $0x38;
	[tilespmem:$0x1C050] =	vst v63  }
0x4c: {  	_ =	swait.ge [sflag:s16], $0x5000  }
0x4d: {  	[sflag:s16] =	ssyncset.done $0x0  }
0x4e: {  	s31 =	sadd.s32 $0x0, s15;
	[sflag:s16] =	ssyncadd.s32 $0xFFFFB000  }
0x4f: {  	[hbm4b:s31+s3] =	stream.linear.scatter [tilespmem:s22], [sflag:$0x3], $0x5000, $0x38;
	[tilespmem:$0x1C050] =	vst v63  }
0x50: {  	_ =	swait.ge [sflag:s16], $0x5000  }
0x51: {  	s26 =	simm.s32 $0x1400;
	[sflag:s16] =	ssyncset.done $0x0  }
.LBB2_2:
0x52: {  	p1 =	sne.s32 s26, $0x16800  }
0x53: {  	[sflag:s16] =	ssyncadd.s32 $0xFFFFB000;
	s28 =	smov.u32 s26;
	s26 =	sadd.s32 $0x1400, s26  }
0x54: {  	_ =	swait.ge [sflag:s20], $0x5000  }
0x55: {  	[sflag:s20] =	ssyncset.done $0x0  }
0x56: {  	[sflag:s20] =	ssyncadd.s32 $0xFFFFB000  }
0x57: {  	_ =	swait.ge [sflag:s20], $0x5000  }
0x58: {  	s29 =	sshra.s32 s28, $0x2;
	[sflag:s20] =	ssyncset.done $0x0  }
0x59: {  	s30 =	sadd.s32 $0x280, s29;
	[sflag:s20] =	ssyncadd.s32 $0xFFFFB000  }
0x5a: {  	[tilespmem:s21], [sflag:$0x2] =	stream.indirect.gather [spmem:s1], $0x20, s30, s17, $0xb8;
	[tilespmem:$0x1C050] =	vst v63  }
0x5b: {  	_ = 	snop  }
0x5c: {  	[tilespmem:s22], [sflag:$0x2] =	stream.indirect.gather [spmem:s2], $0x20, s30, s17, $0xb8;
	[tilespmem:$0x1C050] =	vst v63  }
0x5d: {  	s30 =	sadd.s32 s28, s13  }
0x5e: {  	[hbm4b:s30+s3] =	stream.linear.scatter [tilespmem:s18], [sflag:$0x3], $0x5000, $0x38;
	[tilespmem:$0x1C050] =	vst v63  }
0x5f: {  	_ =	swait.ge [sflag:s16], $0x5000  }
0x60: {  	[sflag:s16] =	ssyncset.done $0x0  }
0x61: {  	s30 =	sadd.s32 s28, s12;
	[sflag:s16] =	ssyncadd.s32 $0xFFFFB000  }
0x62: {  	[hbm4b:s30+s3] =	stream.linear.scatter [tilespmem:s19], [sflag:$0x3], $0x5000, $0x38;
	[tilespmem:$0x1C050] =	vst v63  }
0x63: {  	_ =	swait.ge [sflag:s16], $0x5000  }
0x64: {  	[sflag:s16] =	ssyncset.done $0x0  }
0x65: {  	[sflag:s16] =	ssyncadd.s32 $0xFFFFB000  }
0x66: {  	_ =	swait.ge [sflag:s23], $0x5000  }
0x67: {  	[sflag:s23] =	ssyncset.done $0x0  }
0x68: {  	[sflag:s23] =	ssyncadd.s32 $0xFFFFB000  }
0x69: {  	_ =	swait.ge [sflag:s23], $0x5000  }
0x6a: {  	[sflag:s23] =	ssyncset.done $0x0  }
0x6b: {  	s29 =	sadd.s32 $0x500, s29;
	[sflag:s23] =	ssyncadd.s32 $0xFFFFB000  }
0x6c: {  	[tilespmem:s18], [sflag:$0x1] =	stream.indirect.gather [spmem:s1], $0x20, s29, s17, $0xb8;
	[tilespmem:$0x1C050] =	vst v63  }
0x6d: {  	_ = 	snop  }
0x6e: {  	[tilespmem:s19], [sflag:$0x1] =	stream.indirect.gather [spmem:s2], $0x20, s29, s17, $0xb8;
	[tilespmem:$0x1C050] =	vst v63  }
0x6f: {  	s29 =	sadd.s32 s28, s14  }
0x70: {  	[hbm4b:s29+s3] =	stream.linear.scatter [tilespmem:s21], [sflag:$0x3], $0x5000, $0x38;
	[tilespmem:$0x1C050] =	vst v63  }
0x71: {  	_ =	swait.ge [sflag:s16], $0x5000  }
.Ltmp0:
0x72: {  	[sflag:s16] =	ssyncset.done $0x0;
	(pc) =	sbr.rel @p1 .LBB2_2-.Ltmp0, $4  }
0x73: {  	s28 =	sadd.s32 s28, s15;
	[sflag:s16] =	ssyncadd.s32 $0xFFFFB000  }
0x74: {  	[hbm4b:s28+s3] =	stream.linear.scatter [tilespmem:s22], [sflag:$0x3], $0x5000, $0x38;
	[tilespmem:$0x1C050] =	vst v63  }
0x75: {  	_ =	swait.ge [sflag:s16], $0x5000  }
0x76: {  	[sflag:s16] =	ssyncset.done $0x0  }
0x77: {  	[sflag:s16] =	ssyncadd.s32 $0xFFFFB000  }
0x78: {  	_ =	swait.ge [sflag:s20], $0x5000  }
0x79: {  	[sflag:s20] =	ssyncset.done $0x0  }
0x7a: {  	[sflag:s20] =	ssyncadd.s32 $0xFFFFB000  }
0x7b: {  	_ =	swait.ge [sflag:s20], $0x5000  }
0x7c: {  	[sflag:s20] =	ssyncset.done $0x0  }
0x7d: {  	[sflag:s20] =	ssyncadd.s32 $0xFFFFB000  }
0x7e: {  	[tilespmem:s21], [sflag:$0x2] =	stream.indirect.gather [spmem:s1], $0x20, s24, s17, $0xb8;
	[tilespmem:$0x1C050] =	vst v63  }
0x7f: {  	_ = 	snop  }
0x80: {  	[tilespmem:s22], [sflag:$0x2] =	stream.indirect.gather [spmem:s2], $0x20, s24, s17, $0xb8;
	[tilespmem:$0x1C050] =	vst v63  }
0x81: {  	_ = 	snop  }
0x82: {  	[hbm4b:s8+s3] =	stream.linear.scatter [tilespmem:s18], [sflag:$0x3], $0x5000, $0x38;
	[tilespmem:$0x1C050] =	vst v63  }
0x83: {  	_ =	swait.ge [sflag:s16], $0x5000  }
0x84: {  	[sflag:s16] =	ssyncset.done $0x0  }
0x85: {  	[sflag:s16] =	ssyncadd.s32 $0xFFFFB000  }
0x86: {  	[hbm4b:s9+s3] =	stream.linear.scatter [tilespmem:s19], [sflag:$0x3], $0x5000, $0x38;
	[tilespmem:$0x1C050] =	vst v63  }
0x87: {  	_ =	swait.ge [sflag:s16], $0x5000  }
0x88: {  	[sflag:s16] =	ssyncset.done $0x0  }
0x89: {  	[sflag:s16] =	ssyncadd.s32 $0xFFFFB000  }
0x8a: {  	_ =	swait.ge [sflag:s23], $0x5000  }
0x8b: {  	[sflag:s23] =	ssyncset.done $0x0  }
0x8c: {  	[sflag:s23] =	ssyncadd.s32 $0xFFFFB000  }
0x8d: {  	_ =	swait.ge [sflag:s23], $0x5000  }
0x8e: {  	[sflag:s23] =	ssyncset.done $0x0  }
0x8f: {  	[sflag:s23] =	ssyncadd.s32 $0xFFFFB000  }
0x90: {  	[hbm4b:s10+s3] =	stream.linear.scatter [tilespmem:s21], [sflag:$0x3], $0x5000, $0x38;
	[tilespmem:$0x1C050] =	vst v63  }
0x91: {  	s25 =	sadd.s32 $0x1, s25;
	_ =	swait.ge [sflag:s16], $0x5000  }
0x92: {  	p1 =	sne.s32 s25, s7;
	[sflag:s16] =	ssyncset.done $0x0  }
.Ltmp1:
0x93: {  	[sflag:s16] =	ssyncadd.s32 $0xFFFFB000;
	(pc) =	sbr.rel @p1 .LBB2_1-.Ltmp1, $4  }
0x94: {  	[hbm4b:s11+s3] =	stream.linear.scatter [tilespmem:s22], [sflag:$0x3], $0x5000, $0x38;
	[tilespmem:$0x1C050] =	vst v63  }
0x95: {  	_ =	swait.ge [sflag:s16], $0x5000  }
0x96: {  	[sflag:s16] =	ssyncset.done $0x0  }
0x97: {  	[sflag:s16] =	ssyncadd.s32 $0xFFFFB000  }
0x98: {  	_ =	sfence.sel $0x180000  }
0x99: {  	[bflag:$0x0] =	sbarrier.arrive $0xFFFF  }
0x9a: {  	_ =	strace $0x90000047  }
0x9b: {  	s0 =	sadd.s32 @!p0 $0x100000, s0;
	[bflag:$0x2] =	sbarrier.arrive $0xFFFF  }
0x9c: {  	[sflag:s0] =	ssyncadd.tile.s32 @!p0 $0x1;
	_ =	shalt  }
.Lfunc_end2:
_tile_overlayer_lowered:
.L_overlay_start_2:
0x9d: {  	(tag) =	ssettag $0x2  }
0x9e: {  	s0 =	rddreg [dreg:$0x0];
	s2 =	stileid.u32  }
0x9f: {  	s1 =	rddreg [dreg:$0x1];
	p0 =	sne.s32 s2, $0x0  }
0xa0: {  	s3 =	rddreg [dreg:$0x2];
	[bflag:$0x3] =	sbarrier.arrive $0xFFFF;
	s2 =	simm.s32 @!p0 $0x1C03  }
0xa1: {  	[timem:s3], [sflag:s2] =	dma.local @!p0 [hbm:s0], s1  }
0xa2: {  	s0 =	simm.s32 @!p0 $0x3  }
0xa3: {  	_ =	swait.ge @!p0 [sflag:s0], s1  }
0xa4: {  	s1 =	ssub.s32 @!p0 $0x0, s1;
	[sflag:s0] =	ssyncset.done @!p0 $0x0  }
0xa5: {  	[sflag:s0] =	ssyncadd.s32 @!p0 s1  }
0xa6: {  	[bflag:$0x3] =	sbarrier.arrive $0xFFFF  }
0xa7: {  	_ =	shalt  }

// kernel: sparse-core-data-format-call.1.cloned.1.call-start
scs
called_computation.1_lowered:
.L_overlay_start_0:
0x0: {  	s2 =	sld [smem:$0x3FD9]  }
0x1: {  	s3 =	sld [smem:$0x3FFE];
	_ =	sdelay $0x1  }
0x2: {  	s1 =	srdreg.scid  }
0x3: {  	s0 =	sand.u32 $0x1, s1  }
0x4: {  	s16 =	sshll.u32 s0, $0xA;
	s2 =	sadd.s32 s3, s2  }
0x5: {  	s2 =	sadd.s32 s2, s16  }
0x6: {  	[smem:$0x3FC5] =	sst s2  }
0x7: {  	_ = 	snop  }
0x8: {  	s2 =	sld [smem:$0x3FD0];
	_ =	sdelay $0x2  }
0x9: {  	s17 =	simm.s32 $0xB;
	s4 =	simm.s32 $0x10  }
0xa: {  	[smem:s4], [sflag:s17] =	dma.local [hbm:s2], $0x1  }
0xb: {  	_ =	swait.eq [sflag:s17], $0x1  }
0xc: {  	[sflag:s17] =	ssyncset.done $0x0  }
0xd: {  	[sflag:s17] =	ssyncadd.s32 $0xFFFFFFFF  }
0xe: {  	s18 =	sld [smem:$0x10];
	(tm) =	ssettm $0x1  }
0xf: {  	s19 =	sld [smem:$0x3FFB];
	_ =	sdelay $0x3  }
0x10: {  	_ =	strace s19  }
0x11: {  	s2 =	sld [smem:$0x3FFC];
	_ =	sdelay $0x3  }
0x12: {  	_ =	strace s2  }
0x13: {  	s2 =	sld [smem:$0x3FFD];
	_ =	sdelay $0x3  }
0x14: {  	_ =	strace s2  }
0x15: {  	_ =	strace $0x8FFFFFFF  }
0x16: {  	s20 =	sld [smem:$0x3FDB];
	_ =	sdelay $0x1  }
0x17: {  	s21 =	simm.s32 $_scs_section_size  }
0x18: {  	s5 =	simm.s32 $_size__tile_overlayer_lowered;
	s6 =	simm.s32 $_tile_overlayer_lowered  }
0x19: {  	s7 =	simm.s32 $0x1BFF;
	s22 =	sshll.u32 s6, $0x1;
	s4 =	sadd.s32 s21, s20  }
0x1a: {  	s23 =	simm.s32 $0x0;
	s5 =	sshll.u32 s5, $0x1;
	s6 =	sadd.s32 s22, s4  }
0x1b: {  	[timem:s23], [sflag:s7] =	dma.local [hbm:s6], s5  }
0x1c: {  	_ =	swait.ge [sflag:s7], s5  }
0x1d: {  	s5 =	ssub.s32 $0x0, s5;
	[sflag:s7] =	ssyncset.done $0x0  }
0x1e: {  	[sflag:s7] =	ssyncadd.s32 s5;
	_ =	sdelay $0x1  }
0x1f: {  	s24 =	simm.s32 $0x1B8B  }
0x20: {  	_ =	swait.ge [sflag:s24], $0x1  }
0x21: {  	[sflag:s24] =	ssyncset.done $0x0  }
0x22: {  	[sflag:s24] =	ssyncadd.s32 $0xFFFFFFFF  }
0x23: {  	s5 =	sld [smem:$0x0]  }
0x24: {  	s6 =	sand.u32 $0xFFFFFFFE, s1  }
0x25: {  	p0 =	sne.s32 s1, s6  }
0x26: {  	s6 =	sshll.u32 @p0 s6, $0xE  }
0x27: {  	s6 =	sadd.s32 @p0 $0x11B8D, s6;
	s7 =	sshll.u32 @p0 s5, $0x11  }
0x28: {  	s6 =	sor.u32 @p0 s7, s6  }
0x29: {  	[sflag:s6] =	ssyncadd.remote.s32 @p0 $0x1;
	_ =	sdelay $0x1  }
0x2a: {  	s6 =	simm.s32 @p0 $0x1B8D  }
0x2b: {  	_ =	swait.eq @p0 [sflag:s6], $0x1  }
0x2c: {  	[sflag:s6] =	ssyncadd.s32 @p0 $0xFFFFFFFF  }
0x2d: {  	s7 =	sshll.u32 @!p0 s1, $0xE  }
0x2e: {  	s7 =	sor.u32 @!p0 $0x4000, s7;
	s6 =	simm.s32 @!p0 $0x1B8D  }
0x2f: {  	s5 =	sshll.u32 @!p0 s5, $0x11;
	s7 =	sadd.s32 @!p0 $0x11B8D, s7;
	_ =	swait.eq @!p0 [sflag:s6], $0x1  }
0x30: {  	s5 =	sor.u32 @!p0 s5, s7;
	[sflag:s6] =	ssyncadd.s32 @!p0 $0xFFFFFFFF  }
0x31: {  	s26 =	simm.s32 $0x1B8E;
	s25 =	sld [smem:$0x3FFE];
	[sflag:s5] =	ssyncadd.remote.s32 @!p0 $0x1  }
0x32: {  	s27 =	simm.s32 $execute0_lowered;
	[smem:$0x3FD2] =	sst s26  }
0x33: {  	s6 =	sshll.u32 s27, $0x1;
	_ =	strace $0x8000004C;
	[dreg:$0x1] =	wrdreg $0xFFFFFFFF  }
0x34: {  	s28 =	simm.s32 $_size_execute0_lowered;
	s4 =	sadd.s32 s4, s6;
	[dreg:$0x0] =	wrdreg $0x0  }
0x35: {  	s6 =	sshll.u32 s28, $0x1;
	[dreg:$0x2] =	wrdreg s4  }
0x36: {  	[dreg:$0x3] =	wrdreg s6  }
0x37: {  	[dreg:$0x4] =	wrdreg $0xC0  }
0x38: {  	_ =	task [dreg:s23], $0x5FFFF  }
0x39: {  	[dreg:$0x1] =	wrdreg $0xFFFFFFFF  }
0x3a: {  	[dreg:$0x0] =	wrdreg $0x60  }
0x3b: {  	[dreg:$0x2] =	wrdreg s25  }
0x3c: {  	[dreg:$0x3] =	wrdreg s18  }
0x3d: {  	[dreg:$0x4] =	wrdreg $0xA  }
0x3e: {  	_ =	task.clear_ibuf [dreg:s23], $0x5FFFF;
	_ =	strace $0x9000004C  }
0x3f: {  	s29 =	simm.s32 $0xA;
	_ =	strace $0x8000004E  }
0x40: {  	_ =	swait.ge [sflag:s29], $0x1  }
0x41: {  	[sflag:s29] =	ssyncadd.s32 $0xFFFFFFFF  }
0x42: {  	_ =	strace $0x9000004E  }
0x43: {  	_ =	sfence  }
0x44: {  	s30 =	sld [smem:$0x0];
	_ =	sdelay $0x2  }
0x45: {  	s31 =	sshll.u32 s1, $0xD;
	s1 =	sshrl.u32 s1, $0x2  }
0x46: {  	s4 =	sand.u32 $0x4000, s31;
	s1 =	sadd.s32 s1, s30  }
0x47: {  	s0 =	sor.u32 s4, s0;
	s1 =	sshll.u32 s1, $0x11  }
0x48: {  	s0 =	sor.u32 s1, s0  }
0x49: {  	s0 =	sadd.s32 $0x8F2B, s0  }
0x4a: {  	[sflag:s0] =	ssyncadd.remote.s32 $0x1  }
0x4b: {  	_ =	sfence.sel $0xFFFF  }
0x4c: {  	[dreg:$0x0] =	wrdreg $0xFFFFFFFF;
	(pc) =	sbr.abs _section_cstart, $3  }
0x4d: {  	[dreg:$0x1] =	wrdreg $0xFFFFFFFF  }
0x4e: {  	_ =	task.clear_ibuf [dreg:s23], $0x2FFFF;
	_ =	strace $0x9FFFFFFF  }
0x4f: {  	(tm) =	ssettm $0x7FFFFFFF  }
tec
execute0_lowered:
.L_overlay_start_1:
0x0: {  	(tag) =	ssettag $0x1  }
0x1: {  	s0 =	srdreg.scid  }
0x2: {  	s1 =	sshll.u32 s0, $0x4  }
0x3: {  	s0 =	stileid.u32;
	s1 =	sand.u32 $0x10, s1  }
0x4: {  	s1 =	sor.u32 s0, s1  }
0x5: {  	s6 =	rddreg [dreg:$0x0];
	s4 =	simm.s32 $0x1;
	s2 =	sshll.u32 s1, $0x7  }
0x6: {  	s7 =	simm.s32 $0x2;
	s12 =	simm.s32 $0x0;
	s1 =	ssub.s32 $0x1000, s2  }
0x7: {  	s8 =	simm.s32 $0x8000;
	s13 =	simm.s32 $0x0;
	s3 =	sand.u32 $0xF80, s1  }
0x8: {  	s9 =	simm.s32 $0x0;
	s5 =	sshrl.u32 s1, $0xC;
	p0 =	sne.s32 s3, $0x0  }
.Ltmp0:
0x9: {  	s1 =	rddreg [dreg:$0x2];
	s4 =	simm.s32 @!p0 $0x0;
	(pc) =	sbr.rel .LBB1_1-.Ltmp0, $4  }
0xa: {  	s11 =	simm.s32 $0x0;
	s3 =	rddreg [dreg:$0x1];
	s5 =	sadd.s32 s4, s5  }
0xb: {  	_ =	strace $0x8000004D;
	s4 =	simm.s32 $0x1;
	s5 =	smul.u32 $0xC8, s5  }
0xc: {  	s6 =	sadd.s32 $0xC81000, s6;
	s10 =	smov.u32 s2;
	[sflag:s4] =	ssyncpa.u1 $0x0  }
0xd: {  	p0 =	por $0x0, $0x0;
	[sflag:s7] =	ssyncpa.u1 $0x0;
	s7 =	sor.u32 $0x1, s5  }
.LBB1_4:
0xe: {  	s16 =	sshll.u32 s13, $0x3;
	s17 =	sand.u32 $0x78, s13  }
0xf: {  	s30 =	sand.u32 $0x3E00, s13;
	s12 =	sshll.u32 s12, $0xE;
	s16 =	sand.u32 $0xC00, s16  }
0x10: {  	s31 =	sand.u32 $0x7, s13;
	s16 =	sor.u32 s17, s16;
	s17 =	sadd.s32 s3, s30  }
0x11: {  	s13 =	sshll.u32 s31, $0x12;
	s16 =	sshrl.u32 s16, $0x3;
	s12 =	sadd.s32 s12, s17  }
0x12: {  	[tilespmem:s15+$0x0 ss:$0x81] =	vst.msk $0xffff, v0;
	s13 =	sor.u32 $0x400, s13;
	s12 =	sadd.s32 s16, s12  }
0x13: {  	[hbm4b:s12+s13] =	stream.strided.scatter [tilespmem:s14], [sflag:$0x2], $0x1000, s8, s13, $0x20;
	[tilespmem:$0x4040] =	vst v63  }
.LBB1_5:
0x14: {  	s14 =	sadd.s32 $0x1, s9  }
0x15: {  	s12 =	sadd.s32 $0x1000, s10;
	s16 =	smov.u32 s10;
	p2 =	sgt.s32 s14, $0xC7  }
0x16: {  	s16 =	smov.u32 @p2 s12  }
0x17: {  	s14 =	simm.s32 @p2 $0x0;
	p2 =	sgt.s32 s16, $0xFFF  }
0x18: {  	s16 =	smov.u32 @p2 s2;
	p2 =	sne.s32 s11, s7  }
.Ltmp1:
0x19: {  	p1 =	slt.u32 s11, $0x2;
	(pc) =	sbr.rel @!p2 .LBB1_6-.Ltmp1, $4  }
0x1a: {  	s15 =	simm.s32 @!p1 $0x2  }
0x1b: {  	s13 =	smov.u32 s10;
	p0 =	por !p0, !p0;
	_ =	swait.ge @!p1 [sflag:s15], $0x1000  }
0x1c: {  	s12 =	smov.u32 s9;
	[sflag:s15] =	ssyncset.done @!p1 $0x0;
	s9 =	smov.u32 s14  }
0x1d: {  	s11 =	sadd.s32 $0x1, s11;
	[sflag:s15] =	ssyncadd.s32 @!p1 $0xFFFFF000;
	s10 =	smov.u32 s16  }
.LBB1_1:
0x1e: {  	p1 =	sge.u32 s11, s5  }
0x1f: {  	s14 =	sand.u32 @!p1 $0x1FFFFFF, s9  }
0x20: {  	s15 =	smulhi.u32 @!p1 $0x147AE15, s14;
	_ =	sdelay $0x1  }
0x21: {  	s15 =	smul.u32 @!p1 $0xC8, s15  }
0x22: {  	s16 =	sxor.u32 @!p1 $0xFFFFFFFF, s11;
	s17 =	smul.u32 @!p1 $0xC80, s10  }
0x23: {  	s31 =	sadd.s32 $0xFFFFFFFF, s11;
	s16 =	sshll.u32 @!p1 s16, $0xC;
	s14 =	ssub.s32 @!p1 s14, s15  }
0x24: {  	s15 =	sand.u32 @!p1 $0x1000, s16;
	s16 =	sadd.s32 @!p1 s6, s17;
	s14 =	sshll.u32 @!p1 s14, $0x4  }
0x25: {  	s17 =	simm.s32 @!p1 $0x6400;
	s14 =	sadd.s32 @!p1 s14, s16;
	s16 =	simm.s32 @!p1 $0x20  }
0x26: {  	[tilespmem:s15], [sflag:$0x1] =	stream.strided.gather @!p1 [hbm4b:s14+s16], $0x1000, s17, s16, $0x38;
	[tilespmem:$0x4040] =	vst v63  }
0x27: {  	p1 =	sge.u32 s31, s5  }
.Ltmp2:
0x28: {  	_ = 	snop;
	(pc) =	sbr.rel @p1 .LBB1_5-.Ltmp2, $1  }
0x29: {  	_ =	sdelay $0x3  }
0x2a: {  	s14 =	simm.s32 $0x1  }
0x2b: {  	_ =	swait.ge [sflag:s4], $0x1000;
	s14 =	simm.s32 @!p0 $0x0  }
0x2c: {  	[sflag:s4] =	ssyncset.done $0x0;
	s15 =	sshll.u32 s14, $0xC  }
0x2d: {  	[sflag:s4] =	ssyncadd.s32 $0xFFFFF000;
	s18 =	sor.u32 $0x10, s15  }
0x2e: {  	s14 =	smul.u32 $0x4080, s14;
	v1 =	vld [tilespmem:s18+$0x0]  }
0x2f: {  	s30 =	sand.u32 $0x1, s11;
	v0 =	vld [tilespmem:s18+$0xFFFFFFF0]  }
0x30: {  	s15 =	smul.u32 $0x4080, s30;
	s14 =	sshrl.u32 s14, $0x2  }
0x31: {  	s16 =	sor.u32 $0x2000, s14  }
0x32: {  	s31 =	sshrl.u32 s15, $0x2;
	s15 =	sadd.s32 $0x0, s16  }
0x33: {  	s17 =	simm.s32 $0x4;
	s18 =	sadd.s32 $0x20, s18;
	s14 =	sor.u32 $0x2000, s31;
	[tilespmem:s15+$0x810 ss:$0x81] =	vst.msk $0xffff, v1  }
.LBB1_3:
0x34: {  	v1 =	vld [tilespmem:s18+$0x0];
	p1 =	sne.s32 s17, $0x1FC;
	[tilespmem:s15+$0x0 ss:$0x81] =	vst.msk $0xffff, v0;
	s15 =	smov.u32 s17;
	s17 =	sadd.s32 $0x4, s17  }
.Ltmp3:
0x35: {  	v0 =	vld [tilespmem:s18+$0xFFFFFFF0];
	(pc) =	sbr.rel @p1 .LBB1_3-.Ltmp3, $4  }
0x36: {  	_ = 	snop  }
0x37: {  	s15 =	sshra.s32 s15, $0x2  }
0x38: {  	s15 =	sadd.s32 s15, s16  }
0x39: {  	s18 =	sadd.s32 $0x20, s18;
	[tilespmem:s15+$0x810 ss:$0x81] =	vst.msk $0xffff, v1  }
.Ltmp4:
0x3a: {  	_ = 	snop;
	(pc) =	sbr.rel .LBB1_4-.Ltmp4, $1  }
0x3b: {  	_ =	sdelay $0x3  }
.LBB1_6:
0x3c: {  	_ =	sfence.sel $0x180000  }
0x3d: {  	s2 =	simm.s32 $0x1;
	[bflag:$0x0] =	sbarrier.arrive $0xFFFF  }
0x3e: {  	s31 =	simm.s32 $0x2;
	[sflag:s2] =	ssyncpa.u1 $0x1  }
0x3f: {  	[sflag:s31] =	ssyncpa.u1 $0x1  }
0x40: {  	p0 =	sne.s32 s0, $0x0;
	_ =	strace $0x9000004D  }
0x41: {  	s0 =	sadd.s32 @!p0 $0x100000, s1;
	[bflag:$0x2] =	sbarrier.arrive $0xFFFF  }
0x42: {  	[sflag:s0] =	ssyncadd.tile.s32 @!p0 $0x1;
	_ =	shalt  }
.Lfunc_end1:
_tile_overlayer_lowered:
.L_overlay_start_2:
0x43: {  	(tag) =	ssettag $0x2  }
0x44: {  	s0 =	rddreg [dreg:$0x0];
	s2 =	stileid.u32  }
0x45: {  	s1 =	rddreg [dreg:$0x1];
	p0 =	sne.s32 s2, $0x0  }
0x46: {  	s3 =	rddreg [dreg:$0x2];
	[bflag:$0x3] =	sbarrier.arrive $0xFFFF;
	s2 =	simm.s32 @!p0 $0x1C01  }
0x47: {  	[timem:s3], [sflag:s2] =	dma.local @!p0 [hbm:s0], s1  }
0x48: {  	s0 =	simm.s32 @!p0 $0x1  }
0x49: {  	_ =	swait.ge @!p0 [sflag:s0], s1  }
0x4a: {  	s1 =	ssub.s32 @!p0 $0x0, s1;
	[sflag:s0] =	ssyncset.done @!p0 $0x0  }
0x4b: {  	[sflag:s0] =	ssyncadd.s32 @!p0 s1  }
0x4c: {  	[bflag:$0x3] =	sbarrier.arrive $0xFFFF  }
0x4d: {  	_ =	shalt  }

// kernel: sparse-core-data-format-call.cloned.1.call-start
scs
called_computation_lowered:
.L_overlay_start_0:
0x0: {  	s2 =	sld [smem:$0x3FD9]  }
0x1: {  	s3 =	sld [smem:$0x3FFE];
	_ =	sdelay $0x1  }
0x2: {  	s1 =	srdreg.scid  }
0x3: {  	s0 =	sand.u32 $0x1, s1  }
0x4: {  	s15 =	sshll.u32 s0, $0xA;
	s2 =	sadd.s32 s3, s2  }
0x5: {  	s2 =	sadd.s32 s2, s15  }
0x6: {  	[smem:$0x3FC5] =	sst s2  }
0x7: {  	_ = 	snop  }
0x8: {  	s2 =	sld [smem:$0x3FD0];
	_ =	sdelay $0x2  }
0x9: {  	s16 =	simm.s32 $0xB;
	s4 =	simm.s32 $0x10  }
0xa: {  	[smem:s4], [sflag:s16] =	dma.local [hbm:s2], $0x1  }
0xb: {  	_ =	swait.eq [sflag:s16], $0x1  }
0xc: {  	[sflag:s16] =	ssyncset.done $0x0  }
0xd: {  	[sflag:s16] =	ssyncadd.s32 $0xFFFFFFFF  }
0xe: {  	s17 =	sld [smem:$0x11];
	(tm) =	ssettm $0x1  }
0xf: {  	s18 =	sld [smem:$0x3FFB];
	_ =	sdelay $0x3  }
0x10: {  	_ =	strace s18  }
0x11: {  	s3 =	sld [smem:$0x3FFC];
	_ =	sdelay $0x3  }
0x12: {  	_ =	strace s3  }
0x13: {  	s3 =	sld [smem:$0x3FFD];
	_ =	sdelay $0x3  }
0x14: {  	_ =	strace s3  }
0x15: {  	_ =	strace $0x8FFFFFFF  }
0x16: {  	s19 =	sld [smem:$0x3FDB];
	_ =	sdelay $0x1  }
0x17: {  	s20 =	simm.s32 $_scs_section_size  }
0x18: {  	s5 =	simm.s32 $_size__tile_overlayer_lowered;
	s6 =	simm.s32 $_tile_overlayer_lowered  }
0x19: {  	s23 =	simm.s32 $0x1BFF;
	s22 =	sshll.u32 s6, $0x1;
	s3 =	sadd.s32 s20, s19  }
0x1a: {  	s7 =	simm.s32 $0x0;
	s21 =	sshll.u32 s5, $0x1;
	s5 =	sadd.s32 s22, s3  }
0x1b: {  	[timem:s7], [sflag:s23] =	dma.local [hbm:s5], s21  }
0x1c: {  	_ =	swait.ge [sflag:s23], s21  }
0x1d: {  	s4 =	ssub.s32 $0x0, s21;
	[sflag:s23] =	ssyncset.done $0x0  }
0x1e: {  	[sflag:s23] =	ssyncadd.s32 s4;
	_ =	sdelay $0x1  }
0x1f: {  	s24 =	simm.s32 $0x1B8B  }
0x20: {  	_ =	swait.ge [sflag:s24], $0x1  }
0x21: {  	[sflag:s24] =	ssyncset.done $0x0  }
0x22: {  	s26 =	simm.s32 $0x1B8E;
	s25 =	sld [smem:$0x3FFE];
	[sflag:s24] =	ssyncadd.s32 $0xFFFFFFFF  }
0x23: {  	s27 =	simm.s32 $execute0_lowered;
	[smem:$0x3FD2] =	sst s26  }
0x24: {  	s5 =	sshll.u32 s27, $0x1;
	_ =	strace $0x80000049;
	[dreg:$0x1] =	wrdreg $0xFFFFFFFF  }
0x25: {  	s28 =	simm.s32 $_size_execute0_lowered;
	s3 =	sadd.s32 s3, s5;
	[dreg:$0x0] =	wrdreg $0x0  }
0x26: {  	s5 =	sshll.u32 s28, $0x1;
	[dreg:$0x2] =	wrdreg s3  }
0x27: {  	[dreg:$0x3] =	wrdreg s5  }
0x28: {  	[dreg:$0x4] =	wrdreg $0xC0  }
0x29: {  	_ =	task [dreg:s7], $0x5FFFF  }
0x2a: {  	[dreg:$0x1] =	wrdreg $0xFFFFFFFF  }
0x2b: {  	[dreg:$0x0] =	wrdreg $0x60  }
0x2c: {  	[dreg:$0x2] =	wrdreg s25  }
0x2d: {  	[dreg:$0x3] =	wrdreg s17  }
0x2e: {  	[dreg:$0x4] =	wrdreg $0x9  }
0x2f: {  	_ =	task.clear_ibuf [dreg:s7], $0x5FFFF;
	_ =	strace $0x90000049  }
0x30: {  	s29 =	simm.s32 $0x9;
	_ =	strace $0x8000004B  }
0x31: {  	_ =	swait.ge [sflag:s29], $0x1  }
0x32: {  	[sflag:s29] =	ssyncadd.s32 $0xFFFFFFFF  }
0x33: {  	_ =	strace $0x9000004B  }
0x34: {  	_ =	sfence  }
0x35: {  	s30 =	sld [smem:$0x0];
	_ =	sdelay $0x2  }
0x36: {  	s31 =	sshll.u32 s1, $0xD;
	s1 =	sshrl.u32 s1, $0x2  }
0x37: {  	s3 =	sand.u32 $0x4000, s31;
	s1 =	sadd.s32 s1, s30  }
0x38: {  	s0 =	sor.u32 s3, s0;
	s1 =	sshll.u32 s1, $0x11  }
0x39: {  	s0 =	sor.u32 s1, s0  }
0x3a: {  	s0 =	sadd.s32 $0x8F2B, s0  }
0x3b: {  	[sflag:s0] =	ssyncadd.remote.s32 $0x1  }
0x3c: {  	_ =	sfence.sel $0xFFFF  }
0x3d: {  	[dreg:$0x0] =	wrdreg $0xFFFFFFFF;
	(pc) =	sbr.abs _section_cstart, $3  }
0x3e: {  	[dreg:$0x1] =	wrdreg $0xFFFFFFFF  }
0x3f: {  	_ =	task.clear_ibuf [dreg:s7], $0x2FFFF;
	_ =	strace $0x9FFFFFFF  }
0x40: {  	(tm) =	ssettm $0x7FFFFFFF  }
0x41: {  	_ =	shalt  }
tec
execute0_lowered:
.L_overlay_start_1:
0x0: {  	(tag) =	ssettag $0x1  }
0x1: {  	s0 =	srdreg.scid  }
0x2: {  	s1 =	sshll.u32 s0, $0x4  }
0x3: {  	s0 =	stileid.u32;
	s1 =	sand.u32 $0x10, s1  }
0x4: {  	s1 =	sor.u32 s0, s1  }
0x5: {  	s6 =	rddreg [dreg:$0x0];
	s4 =	simm.s32 $0x1;
	s2 =	sshll.u32 s1, $0x7  }
0x6: {  	s7 =	simm.s32 $0x2;
	s12 =	simm.s32 $0x0;
	s1 =	ssub.s32 $0x1000, s2  }
0x7: {  	s8 =	simm.s32 $0x8000;
	s13 =	simm.s32 $0x0;
	s3 =	sand.u32 $0xF80, s1  }
0x8: {  	s9 =	simm.s32 $0x0;
	s5 =	sshrl.u32 s1, $0xC;
	p0 =	sne.s32 s3, $0x0  }
.Ltmp0:
0x9: {  	s1 =	rddreg [dreg:$0x2];
	s4 =	simm.s32 @!p0 $0x0;
	(pc) =	sbr.rel .LBB1_1-.Ltmp0, $4  }
0xa: {  	s11 =	simm.s32 $0x0;
	s3 =	rddreg [dreg:$0x1];
	s5 =	sadd.s32 s4, s5  }
0xb: {  	_ =	strace $0x8000004A;
	s4 =	simm.s32 $0x1;
	s5 =	smul.u32 $0xC8, s5  }
0xc: {  	s6 =	sadd.s32 $0x1000, s6;
	s10 =	smov.u32 s2;
	[sflag:s4] =	ssyncpa.u1 $0x0  }
0xd: {  	p0 =	por $0x0, $0x0;
	[sflag:s7] =	ssyncpa.u1 $0x0;
	s7 =	sor.u32 $0x1, s5  }
.LBB1_4:
0xe: {  	s16 =	sshll.u32 s13, $0x3;
	s17 =	sand.u32 $0x78, s13  }
0xf: {  	s30 =	sand.u32 $0x3E00, s13;
	s12 =	sshll.u32 s12, $0xE;
	s16 =	sand.u32 $0xC00, s16  }
0x10: {  	s31 =	sand.u32 $0x7, s13;
	s16 =	sor.u32 s17, s16;
	s17 =	sadd.s32 s3, s30  }
0x11: {  	s13 =	sshll.u32 s31, $0x12;
	s16 =	sshrl.u32 s16, $0x3;
	s12 =	sadd.s32 s12, s17  }
0x12: {  	[tilespmem:s15+$0x0 ss:$0x81] =	vst.msk $0xffff, v0;
	s13 =	sor.u32 $0x400, s13;
	s12 =	sadd.s32 s16, s12  }
0x13: {  	[hbm4b:s12+s13] =	stream.strided.scatter [tilespmem:s14], [sflag:$0x2], $0x1000, s8, s13, $0x20;
	[tilespmem:$0x4040] =	vst v63  }
.LBB1_5:
0x14: {  	s14 =	sadd.s32 $0x1, s9  }
0x15: {  	s12 =	sadd.s32 $0x1000, s10;
	s16 =	smov.u32 s10;
	p2 =	sgt.s32 s14, $0xC7  }
0x16: {  	s16 =	smov.u32 @p2 s12  }
0x17: {  	s14 =	simm.s32 @p2 $0x0;
	p2 =	sgt.s32 s16, $0xFFF  }
0x18: {  	s16 =	smov.u32 @p2 s2;
	p2 =	sne.s32 s11, s7  }
.Ltmp1:
0x19: {  	p1 =	slt.u32 s11, $0x2;
	(pc) =	sbr.rel @!p2 .LBB1_6-.Ltmp1, $4  }
0x1a: {  	s15 =	simm.s32 @!p1 $0x2  }
0x1b: {  	s13 =	smov.u32 s10;
	p0 =	por !p0, !p0;
	_ =	swait.ge @!p1 [sflag:s15], $0x1000  }
0x1c: {  	s12 =	smov.u32 s9;
	[sflag:s15] =	ssyncset.done @!p1 $0x0;
	s9 =	smov.u32 s14  }
0x1d: {  	s11 =	sadd.s32 $0x1, s11;
	[sflag:s15] =	ssyncadd.s32 @!p1 $0xFFFFF000;
	s10 =	smov.u32 s16  }
.LBB1_1:
0x1e: {  	p1 =	sge.u32 s11, s5  }
0x1f: {  	s14 =	sand.u32 @!p1 $0x1FFFFFF, s9  }
0x20: {  	s15 =	smulhi.u32 @!p1 $0x147AE15, s14;
	_ =	sdelay $0x1  }
0x21: {  	s15 =	smul.u32 @!p1 $0xC8, s15  }
0x22: {  	s16 =	sxor.u32 @!p1 $0xFFFFFFFF, s11;
	s17 =	smul.u32 @!p1 $0xC80, s10  }
0x23: {  	s31 =	sadd.s32 $0xFFFFFFFF, s11;
	s16 =	sshll.u32 @!p1 s16, $0xC;
	s14 =	ssub.s32 @!p1 s14, s15  }
0x24: {  	s15 =	sand.u32 @!p1 $0x1000, s16;
	s16 =	sadd.s32 @!p1 s6, s17;
	s14 =	sshll.u32 @!p1 s14, $0x4  }
0x25: {  	s17 =	simm.s32 @!p1 $0x6400;
	s14 =	sadd.s32 @!p1 s14, s16;
	s16 =	simm.s32 @!p1 $0x20  }
0x26: {  	[tilespmem:s15], [sflag:$0x1] =	stream.strided.gather @!p1 [hbm4b:s14+s16], $0x1000, s17, s16, $0x38;
	[tilespmem:$0x4040] =	vst v63  }
0x27: {  	p1 =	sge.u32 s31, s5  }
.Ltmp2:
0x28: {  	_ = 	snop;
	(pc) =	sbr.rel @p1 .LBB1_5-.Ltmp2, $1  }
0x29: {  	_ =	sdelay $0x3  }
0x2a: {  	s14 =	simm.s32 $0x1  }
0x2b: {  	_ =	swait.ge [sflag:s4], $0x1000;
	s14 =	simm.s32 @!p0 $0x0  }
0x2c: {  	[sflag:s4] =	ssyncset.done $0x0;
	s15 =	sshll.u32 s14, $0xC  }
0x2d: {  	[sflag:s4] =	ssyncadd.s32 $0xFFFFF000;
	s18 =	sor.u32 $0x10, s15  }
0x2e: {  	s14 =	smul.u32 $0x4080, s14;
	v1 =	vld [tilespmem:s18+$0x0]  }
0x2f: {  	s30 =	sand.u32 $0x1, s11;
	v0 =	vld [tilespmem:s18+$0xFFFFFFF0]  }
0x30: {  	s15 =	smul.u32 $0x4080, s30;
	s14 =	sshrl.u32 s14, $0x2  }
0x31: {  	s16 =	sor.u32 $0x2000, s14  }
0x32: {  	s31 =	sshrl.u32 s15, $0x2;
	s15 =	sadd.s32 $0x0, s16  }
0x33: {  	s17 =	simm.s32 $0x4;
	s18 =	sadd.s32 $0x20, s18;
	s14 =	sor.u32 $0x2000, s31;
	[tilespmem:s15+$0x810 ss:$0x81] =	vst.msk $0xffff, v1  }
.LBB1_3:
0x34: {  	v1 =	vld [tilespmem:s18+$0x0];
	p1 =	sne.s32 s17, $0x1FC;
	[tilespmem:s15+$0x0 ss:$0x81] =	vst.msk $0xffff, v0;
	s15 =	smov.u32 s17;
	s17 =	sadd.s32 $0x4, s17  }
.Ltmp3:
0x35: {  	v0 =	vld [tilespmem:s18+$0xFFFFFFF0];
	(pc) =	sbr.rel @p1 .LBB1_3-.Ltmp3, $4  }
0x36: {  	_ = 	snop  }
0x37: {  	s15 =	sshra.s32 s15, $0x2  }
0x38: {  	s15 =	sadd.s32 s15, s16  }
0x39: {  	s18 =	sadd.s32 $0x20, s18;
	[tilespmem:s15+$0x810 ss:$0x81] =	vst.msk $0xffff, v1  }
.Ltmp4:
0x3a: {  	_ = 	snop;
	(pc) =	sbr.rel .LBB1_4-.Ltmp4, $1  }
0x3b: {  	_ =	sdelay $0x3  }
.LBB1_6:
0x3c: {  	_ =	sfence.sel $0x180000  }
0x3d: {  	s2 =	simm.s32 $0x1;
	[bflag:$0x0] =	sbarrier.arrive $0xFFFF  }
0x3e: {  	s31 =	simm.s32 $0x2;
	[sflag:s2] =	ssyncpa.u1 $0x1  }
0x3f: {  	[sflag:s31] =	ssyncpa.u1 $0x1  }
0x40: {  	p0 =	sne.s32 s0, $0x0;
	_ =	strace $0x9000004A  }
0x41: {  	s0 =	sadd.s32 @!p0 $0x100000, s1;
	[bflag:$0x2] =	sbarrier.arrive $0xFFFF  }
0x42: {  	[sflag:s0] =	ssyncadd.tile.s32 @!p0 $0x1;
	_ =	shalt  }
.Lfunc_end1:
_tile_overlayer_lowered:
.L_overlay_start_2:
0x43: {  	(tag) =	ssettag $0x2  }
0x44: {  	s0 =	rddreg [dreg:$0x0];
	s2 =	stileid.u32  }
0x45: {  	s1 =	rddreg [dreg:$0x1];
	p0 =	sne.s32 s2, $0x0  }
0x46: {  	s3 =	rddreg [dreg:$0x2];
	[bflag:$0x3] =	sbarrier.arrive $0xFFFF;
	s2 =	simm.s32 @!p0 $0x1C01  }
0x47: {  	[timem:s3], [sflag:s2] =	dma.local @!p0 [hbm:s0], s1  }
0x48: {  	s0 =	simm.s32 @!p0 $0x1  }
0x49: {  	_ =	swait.ge @!p0 [sflag:s0], s1  }
0x4a: {  	s1 =	ssub.s32 @!p0 $0x0, s1;
	[sflag:s0] =	ssyncset.done @!p0 $0x0  }
0x4b: {  	[sflag:s0] =	ssyncadd.s32 @!p0 s1  }
0x4c: {  	[bflag:$0x3] =	sbarrier.arrive $0xFFFF  }
0x4d: {  	_ =	shalt  }

</sc_bundles>
